<compile_context>
chip_gen: v7x
topology: tpu7x:2x2x1
jax: 0.10.2.dev20260603
libtpu: 0.0.44.dev20260713+nightly
codegen_flags: <defaults>
</compile_context>

<pallas_src>
import functools

import jax
import jax.numpy as jnp
from jax import lax
from jax.experimental import pallas as pl
from jax.experimental.pallas import tpu as pltpu
from jax.experimental.pallas import tpu_sc as plsc

B = 8192
NT = 32
TOK_EMB = 64
ED = 256
K = 8192
OUT = 2
BETA = 0.25

_BB1 = 256
_BB2 = 256
_NW = 32
_CHUNK = 128

_HI = lax.Precision.HIGHEST


def _mm(a, b):
    return lax.dot_general(a, b, (((1,), (0,)), ((), ())),
                           precision=_HI, preferred_element_type=jnp.float32)


def _sc_gather_rows(table, idx):
    n = idx.shape[0]
    d = table.shape[1]
    per_w = n // _NW
    n_chunks = per_w // _CHUNK
    mesh = plsc.VectorSubcoreMesh(core_axis_name="c", subcore_axis_name="s")

    @functools.partial(
        pl.kernel, mesh=mesh,
        compiler_params=pltpu.CompilerParams(use_tc_tiling_on_sc=False),
        out_type=jax.ShapeDtypeStruct((n, d), jnp.float32),
        scratch_types=[
            pltpu.VMEM((_CHUNK,), jnp.int32),
            pltpu.VMEM((_CHUNK, d), jnp.float32),
            pltpu.SemaphoreType.DMA,
        ],
    )
    def gather_k(idx_hbm, table_hbm, out_hbm, idx_v, rows_v, sem):
        wid = lax.axis_index("s") * 2 + lax.axis_index("c")
        base = wid * per_w

        def body(j, carry):
            off = base + j * _CHUNK
            pltpu.sync_copy(idx_hbm.at[pl.ds(off, _CHUNK)], idx_v)
            pltpu.async_copy(table_hbm.at[idx_v], rows_v, sem).wait()
            pltpu.sync_copy(rows_v, out_hbm.at[pl.ds(off, _CHUNK)])
            return carry

        lax.fori_loop(0, n_chunks, body, 0)

    return gather_k(idx, table)


def _enc_vq_body(e_ref, w0, b0, w1, b1, w2, b2, w3, b3, cb_ref,
                 ze_ref, idx_ref, c2_ref):
    @pl.when(pl.program_id(0) == 0)
    def _():
        c = cb_ref[...]
        c2_ref[...] = jnp.sum(c * c, axis=1)[None, :]

    h = e_ref[...]
    h = jnp.maximum(_mm(h, w0[...]) + b0[...], 0.0)
    h = jnp.maximum(_mm(h, w1[...]) + b1[...], 0.0)
    h = jnp.maximum(_mm(h, w2[...]) + b2[...], 0.0)
    z = _mm(h, w3[...]) + b3[...]
    ze_ref[...] = z

    s = lax.dot_general(z, cb_ref[...], (((1,), (1,)), ((), ())),
                        precision=_HI, preferred_element_type=jnp.float32)
    z2 = jnp.sum(z * z, axis=1, keepdims=True)
    dist = (z2 - 2.0 * s) + c2_ref[...]
    m = jnp.min(dist, axis=1, keepdims=True)
    ii = lax.broadcasted_iota(jnp.int32, dist.shape, 1)
    idx = jnp.min(jnp.where(dist == m, ii, jnp.int32(K)), axis=1)
    idx_ref[...] = idx[:, None].astype(jnp.int32)


def _enc_vq(e, ws, bs, cb):
    nb = B // _BB1
    full2 = lambda shape: pl.BlockSpec(shape, lambda i: (0, 0))
    in_specs = [pl.BlockSpec((_BB1, NT * TOK_EMB), lambda i: (i, 0))]
    for w, b in zip(ws, bs):
        in_specs.append(full2(w.shape))
        in_specs.append(full2(b.shape))
    in_specs.append(full2(cb.shape))
    flat = []
    for w, b in zip(ws, bs):
        flat += [w, b]
    return pl.pallas_call(
        _enc_vq_body,
        grid=(nb,),
        in_specs=in_specs,
        out_specs=[pl.BlockSpec((_BB1, ED), lambda i: (i, 0)),
                   pl.BlockSpec((_BB1, 1), lambda i: (i, 0))],
        out_shape=[jax.ShapeDtypeStruct((B, ED), jnp.float32),
                   jax.ShapeDtypeStruct((B, 1), jnp.int32)],
        scratch_shapes=[pltpu.VMEM((1, K), jnp.float32)],
    )(e, *flat, cb)


def _dec_body(zqr_ref, ze_ref, idx_ref, tgt_ref,
              w0, b0, w1, b1, w2, b2, w3, b3,
              pred_ref, zq_ref, com_ref, perp_ref, rec_ref, tot_ref,
              counts_ref, sq_ref, r_ref):
    i = pl.program_id(0)
    nb = pl.num_programs(0)

    zqr = zqr_ref[...]
    ze = ze_ref[...]
    zq = ze + (zqr - ze)
    zq_ref[...] = zq

    h = jnp.maximum(_mm(zq, w0[...]) + b0[...], 0.0)
    h = jnp.maximum(_mm(h, w1[...]) + b1[...], 0.0)
    h = jnp.maximum(_mm(h, w2[...]) + b2[...], 0.0)
    pred = _mm(h, w3[...]) + b3[...]
    pred_ref[...] = pred

    sq = jnp.sum((zqr - ze) ** 2)
    rc = jnp.sum((pred - tgt_ref[...]) ** 2)
    ii = lax.broadcasted_iota(jnp.int32, (_BB2, K), 1)
    oh = (idx_ref[...] == ii).astype(jnp.float32)
    cnt = jnp.sum(oh, axis=0)[None, :]

    @pl.when(i == 0)
    def _():
        sq_ref[0] = 0.0
        r_ref[0] = 0.0
        counts_ref[...] = jnp.zeros_like(counts_ref)

    sq_ref[0] += sq
    r_ref[0] += rc
    counts_ref[...] += cnt

    @pl.when(i == nb - 1)
    def _():
        a = sq_ref[0] * (1.0 / (B * ED))
        com = a + BETA * a
        rec = r_ref[0] * (1.0 / (B * OUT))
        p = counts_ref[...] * (1.0 / B)
        ent = -jnp.sum(p * jnp.log(p + 1e-10))
        com_ref[...] = jnp.broadcast_to(com, (1, 1))
        perp_ref[...] = jnp.broadcast_to(jnp.exp(ent), (1, 1))
        rec_ref[...] = jnp.broadcast_to(rec, (1, 1))
        tot_ref[...] = jnp.broadcast_to(rec + com, (1, 1))


def _decode(zq_raw, z_e, idx2, targets, ws, bs):
    nb = B // _BB2
    full2 = lambda shape: pl.BlockSpec(shape, lambda i: (0, 0))
    in_specs = [pl.BlockSpec((_BB2, ED), lambda i: (i, 0)),
                pl.BlockSpec((_BB2, ED), lambda i: (i, 0)),
                pl.BlockSpec((_BB2, 1), lambda i: (i, 0)),
                pl.BlockSpec((_BB2, OUT), lambda i: (i, 0))]
    flat = []
    for w, b in zip(ws, bs):
        in_specs.append(full2(w.shape))
        in_specs.append(full2(b.shape))
        flat += [w, b]
    scal = lambda: pl.BlockSpec((1, 1), lambda i: (0, 0))
    return pl.pallas_call(
        _dec_body,
        grid=(nb,),
        in_specs=in_specs,
        out_specs=[pl.BlockSpec((_BB2, OUT), lambda i: (i, 0)),
                   pl.BlockSpec((_BB2, ED), lambda i: (i, 0)),
                   scal(), scal(), scal(), scal()],
        out_shape=[jax.ShapeDtypeStruct((B, OUT), jnp.float32),
                   jax.ShapeDtypeStruct((B, ED), jnp.float32),
                   jax.ShapeDtypeStruct((1, 1), jnp.float32),
                   jax.ShapeDtypeStruct((1, 1), jnp.float32),
                   jax.ShapeDtypeStruct((1, 1), jnp.float32),
                   jax.ShapeDtypeStruct((1, 1), jnp.float32)],
        scratch_shapes=[pltpu.VMEM((1, K), jnp.float32),
                        pltpu.SMEM((1,), jnp.float32),
                        pltpu.SMEM((1,), jnp.float32)],
    )(zq_raw, z_e, idx2, targets, *flat)


def kernel(tokens, targets, tok_embed,
           enc_W0, enc_b0, enc_W1, enc_b1, enc_W2, enc_b2, enc_W3, enc_b3,
           codebook,
           dec_W0, dec_b0, dec_W1, dec_b1, dec_W2, dec_b2, dec_W3, dec_b3):
    enc_ws = [enc_W0, enc_W1, enc_W2, enc_W3]
    enc_bs = [b.reshape(1, -1) for b in (enc_b0, enc_b1, enc_b2, enc_b3)]
    dec_ws = [dec_W0, dec_W1, dec_W2, dec_W3]
    dec_bs = [b.reshape(1, -1) for b in (dec_b0, dec_b1, dec_b2, dec_b3)]

    e = _sc_gather_rows(tok_embed, tokens.reshape(-1)).reshape(B, NT * TOK_EMB)
    z_e, idx2 = _enc_vq(e, enc_ws, enc_bs, codebook)
    zq_raw = _sc_gather_rows(codebook, idx2.reshape(-1))
    pred, zq, com, perp, rec, tot = _decode(zq_raw, z_e, idx2, targets,
                                            dec_ws, dec_bs)
    indices = idx2.reshape(B)
    return (pred, com.reshape(()), perp.reshape(()), indices, z_e, zq,
            rec.reshape(()), tot.reshape(()))

# --- scband reference (transcript-rebuilt; emitter-appended) ---
"""Pipeline reference for scband-vqvae-42142219109025 (READ-ONLY COPY).

The authoritative reference and input builder live on the scoring server;
editing this copy changes nothing except your own understanding.
"""

import jax, jax.numpy as jnp
import numpy as np

B = 8192
NT = 32
VOCAB = 8192
TOK_EMB = 64
ENC_H = (1024, 512, 512)
ED = 256
K = 8192
DEC_H = (512, 512, 256)
OUT = 2
BETA = 0.25


def setup_inputs(seed: int = 0) -> dict:
    key = jax.random.key(seed)
    ks = jax.random.split(key, 24)
    inp = {}
    inp['tokens'] = jax.random.randint(ks[0], (B, NT), 0, VOCAB)
    inp['targets'] = jax.random.normal(ks[1], (B, OUT), dtype=jnp.float32)
    inp['tok_embed'] = jax.random.normal(ks[2], (VOCAB, TOK_EMB), dtype=jnp.float32) * 0.02
    dims = [NT * TOK_EMB] + list(ENC_H) + [ED]
    for i in range(len(dims) - 1):
        inp['enc_W%d' % i] = jax.random.normal(ks[3 + i], (dims[i], dims[i + 1]), dtype=jnp.float32) * (1.0 / np.sqrt(dims[i]))
        inp['enc_b%d' % i] = jnp.zeros((dims[i + 1],), dtype=jnp.float32)
    inp['codebook'] = jax.random.normal(ks[10], (K, ED), dtype=jnp.float32) * (1.0 / np.sqrt(ED))
    ddims = [ED] + list(DEC_H) + [OUT]
    for i in range(len(ddims) - 1):
        inp['dec_W%d' % i] = jax.random.normal(ks[12 + i], (ddims[i], ddims[i + 1]), dtype=jnp.float32) * (1.0 / np.sqrt(ddims[i]))
        inp['dec_b%d' % i] = jnp.zeros((ddims[i + 1],), dtype=jnp.float32)
    return inp


def _mlp(h, Ws, bs):
    for i in range(len(Ws) - 1):
        h = jax.nn.relu(h @ Ws[i] + bs[i])
    return h @ Ws[-1] + bs[-1]


def reference(tokens, targets, tok_embed,
              enc_W0, enc_b0, enc_W1, enc_b1, enc_W2, enc_b2, enc_W3, enc_b3,
              codebook,
              dec_W0, dec_b0, dec_W1, dec_b1, dec_W2, dec_b2, dec_W3, dec_b3):
    # --- SpikeEncoder: embed tokens, flatten, MLP -> z_e [B, ED] ---
    e = jnp.take(tok_embed, tokens, axis=0).reshape(tokens.shape[0], -1)
    z_e = _mlp(e, [enc_W0, enc_W1, enc_W2, enc_W3], [enc_b0, enc_b1, enc_b2, enc_b3])
    # --- VectorQuantizer: nearest-codebook lookup (compute-heavy distance matmul) ---
    d = jnp.sum(z_e ** 2, axis=1, keepdims=True) - 2.0 * (z_e @ codebook.T) + jnp.sum(codebook ** 2, axis=1)[None, :]
    indices = jnp.argmin(d, axis=1)
    z_q_raw = jnp.take(codebook, indices, axis=0)
    codebook_loss = jnp.mean((z_q_raw - jax.lax.stop_gradient(z_e)) ** 2)
    commit = jnp.mean((z_e - jax.lax.stop_gradient(z_q_raw)) ** 2)
    commitment_loss = codebook_loss + BETA * commit
    # straight-through estimator
    z_q = z_e + jax.lax.stop_gradient(z_q_raw - z_e)
    enc_onehot = jax.nn.one_hot(indices, K, dtype=jnp.float32)
    avg_probs = jnp.mean(enc_onehot, axis=0)
    perplexity = jnp.exp(-jnp.sum(avg_probs * jnp.log(avg_probs + 1e-10)))
    # --- KinematicsDecoder: MLP -> [B, OUT] ---
    kinematics_pred = _mlp(z_q, [dec_W0, dec_W1, dec_W2, dec_W3], [dec_b0, dec_b1, dec_b2, dec_b3])
    reconstruction_loss = jnp.mean((kinematics_pred - targets) ** 2)
    total_loss = reconstruction_loss + commitment_loss
    return (kinematics_pred, commitment_loss, perplexity, indices, z_e, z_q, reconstruction_loss, total_loss)

if __name__ == "__main__":
    import jax
    _d = setup_inputs()
    print(jax.jit(kernel)(*tuple(_d.values())))

</pallas_src>

<mosaic_0001>
#map = affine_map<(d0, d1) -> (0)>
#map1 = affine_map<(d0, d1) -> (0, 0)>
module attributes {stable_mosaic.version = 14 : i64} {
  func.func @gather_k(%arg0: i32, %arg1: i32, %arg2: memref<262144xi32, #tpu.memory_space<hbm>>, %arg3: memref<8192x64xf32, #tpu.memory_space<hbm>>, %arg4: memref<262144x64xf32, #tpu.memory_space<hbm>>, %arg5: memref<128xi32, #tpu.memory_space<vmem>>, %arg6: memref<128x64xf32, #tpu.memory_space<vmem>>, %arg7: memref<!tpu.dma_semaphore, #tpu.memory_space<semaphore_mem>>) attributes {dimension_semantics = [#tpu.dimension_semantics<core_parallel>, #tpu.dimension_semantics<subcore_parallel>], iteration_bounds = array<i64: 2, 16>, scalar_prefetch = 0 : i64, scratch_operands = 3 : i64, tpu.core_type = #tpu.core_type<sc_vector_subcore>, window_params = [{transform_indices = #map}, {transform_indices = #map1}, {transform_indices = #map1}]} {
    %mul3A = arith.constant 2 : i32
    %mul3A_0 = arith.muli %arg1, %mul3A : i32
    %add3A = arith.addi %mul3A_0, %arg0 : i32
    %mul3A_1 = arith.constant 8192 : i32
    %mul3A_2 = arith.muli %add3A, %mul3A_1 : i32
    %scan3A = arith.constant 0 : i32
    %scan3A_3 = arith.constant 0 : i32
    %scan3A_4 = arith.constant 64 : i32
    %scan3A_5 = arith.addi %scan3A_3, %scan3A_4 : i32
    %scan3A_6 = arith.constant 1 : i32
    scf.for %scan3A_8 = %scan3A_3 to %scan3A_5 step %scan3A_6  : i32 {
      %mul3A_9 = arith.constant 128 : i32
      %mul3A_10 = arith.muli %scan3A_8, %mul3A_9 : i32
      %add3A_11 = arith.addi %mul3A_2, %mul3A_10 : i32
      "tpu.region"() ({
        %run_scoped3A = tpu.sem_alloc : memref<!tpu.dma_semaphore, #tpu.memory_space<semaphore_mem>>
        %dma_start3A_16 = tpu.memref_slice %arg2[%add3A_11] : memref<262144xi32, #tpu.memory_space<hbm>> -> memref<128xi32, #tpu.memory_space<hbm>>
        %dma_start3A_17 = tpu.memref_slice %arg2[%add3A_11] : memref<262144xi32, #tpu.memory_space<hbm>> -> memref<128xi32, #tpu.memory_space<hbm>>
        tpu.enqueue_dma source(%dma_start3A_17 : memref<128xi32, #tpu.memory_space<hbm>>) target(%arg5 : memref<128xi32, #tpu.memory_space<vmem>>) target_semaphore(%run_scoped3A : memref<!tpu.dma_semaphore, #tpu.memory_space<semaphore_mem>>)
        %dma_wait3A_18 = tpu.memref_slice %arg2[%add3A_11] : memref<262144xi32, #tpu.memory_space<hbm>> -> memref<128xi32, #tpu.memory_space<hbm>>
        %dma_wait3A_19 = tpu.memref_slice %arg2[%add3A_11] : memref<262144xi32, #tpu.memory_space<hbm>> -> memref<128xi32, #tpu.memory_space<hbm>>
        tpu.wait_dma2 semaphore(%run_scoped3A : memref<!tpu.dma_semaphore, #tpu.memory_space<semaphore_mem>>) src(%dma_wait3A_19 : memref<128xi32, #tpu.memory_space<hbm>>) dst(%arg5 : memref<128xi32, #tpu.memory_space<vmem>>)
        tpu.yield
      }) : () -> ()
      %dma_start3A = arith.constant 0 : i32
      %dma_start3A_12 = arith.constant 0 : i32
      %dma_start3A_13 = tpu.memref_slice %arg3[%dma_start3A, %dma_start3A_12] : memref<8192x64xf32, #tpu.memory_space<hbm>> -> memref<8192x64xf32, #tpu.memory_space<hbm>>
      tpu.enqueue_indirect_dma source(%dma_start3A_13 : memref<8192x64xf32, #tpu.memory_space<hbm>>) target(%arg6 : memref<128x64xf32, #tpu.memory_space<vmem>>) offsets(%arg5 : memref<128xi32, #tpu.memory_space<vmem>>) semaphore(%arg7 : memref<!tpu.dma_semaphore, #tpu.memory_space<semaphore_mem>>)
      %dma_wait3A = arith.constant 0 : i32
      %dma_wait3A_14 = arith.constant 0 : i32
      %dma_wait3A_15 = tpu.memref_slice %arg3[%dma_wait3A, %dma_wait3A_14] : memref<8192x64xf32, #tpu.memory_space<hbm>> -> memref<8192x64xf32, #tpu.memory_space<hbm>>
      tpu.wait_indirect_dma semaphore(%arg7 : memref<!tpu.dma_semaphore, #tpu.memory_space<semaphore_mem>>) src(%dma_wait3A_15 : memref<8192x64xf32, #tpu.memory_space<hbm>>) dst(%arg6 : memref<128x64xf32, #tpu.memory_space<vmem>>)
      "tpu.region"() ({
        %run_scoped3A = tpu.sem_alloc : memref<!tpu.dma_semaphore, #tpu.memory_space<semaphore_mem>>
        %dma_start3A_16 = arith.constant 0 : i32
        %dma_start3A_17 = tpu.memref_slice %arg4[%add3A_11, %dma_start3A_16] : memref<262144x64xf32, #tpu.memory_space<hbm>> -> memref<128x64xf32, #tpu.memory_space<hbm>>
        %dma_start3A_18 = arith.constant 0 : i32
        %dma_start3A_19 = tpu.memref_slice %arg4[%add3A_11, %dma_start3A_18] : memref<262144x64xf32, #tpu.memory_space<hbm>> -> memref<128x64xf32, #tpu.memory_space<hbm>>
        tpu.enqueue_dma source(%arg6 : memref<128x64xf32, #tpu.memory_space<vmem>>) target(%dma_start3A_19 : memref<128x64xf32, #tpu.memory_space<hbm>>) target_semaphore(%run_scoped3A : memref<!tpu.dma_semaphore, #tpu.memory_space<semaphore_mem>>)
        %dma_wait3A_20 = arith.constant 0 : i32
        %dma_wait3A_21 = tpu.memref_slice %arg4[%add3A_11, %dma_wait3A_20] : memref<262144x64xf32, #tpu.memory_space<hbm>> -> memref<128x64xf32, #tpu.memory_space<hbm>>
        %dma_wait3A_22 = arith.constant 0 : i32
        %dma_wait3A_23 = tpu.memref_slice %arg4[%add3A_11, %dma_wait3A_22] : memref<262144x64xf32, #tpu.memory_space<hbm>> -> memref<128x64xf32, #tpu.memory_space<hbm>>
        tpu.wait_dma2 semaphore(%run_scoped3A : memref<!tpu.dma_semaphore, #tpu.memory_space<semaphore_mem>>) src(%arg6 : memref<128x64xf32, #tpu.memory_space<vmem>>) dst(%dma_wait3A_23 : memref<128x64xf32, #tpu.memory_space<hbm>>)
        tpu.yield
      }) : () -> ()
    }
    %scan3A_7 = arith.constant 64 : i32
    return
  }
}

#map = affine_map<(d0, d1) -> (0)>
#map1 = affine_map<(d0, d1) -> (0, 0)>
module attributes {stable_mosaic.version = 14 : i64} {
  func.func @gather_k(%arg0: i32, %arg1: i32, %arg2: memref<8192xi32, #tpu.memory_space<hbm>>, %arg3: memref<8192x256xf32, #tpu.memory_space<hbm>>, %arg4: memref<8192x256xf32, #tpu.memory_space<hbm>>, %arg5: memref<128xi32, #tpu.memory_space<vmem>>, %arg6: memref<128x256xf32, #tpu.memory_space<vmem>>, %arg7: memref<!tpu.dma_semaphore, #tpu.memory_space<semaphore_mem>>) attributes {dimension_semantics = [#tpu.dimension_semantics<core_parallel>, #tpu.dimension_semantics<subcore_parallel>], iteration_bounds = array<i64: 2, 16>, scalar_prefetch = 0 : i64, scratch_operands = 3 : i64, tpu.core_type = #tpu.core_type<sc_vector_subcore>, window_params = [{transform_indices = #map}, {transform_indices = #map1}, {transform_indices = #map1}]} {
    %mul3A = arith.constant 2 : i32
    %mul3A_0 = arith.muli %arg1, %mul3A : i32
    %add3A = arith.addi %mul3A_0, %arg0 : i32
    %mul3A_1 = arith.constant 256 : i32
    %mul3A_2 = arith.muli %add3A, %mul3A_1 : i32
    %scan3A = arith.constant 0 : i32
    %scan3A_3 = arith.constant 0 : i32
    %scan3A_4 = arith.constant 2 : i32
    %scan3A_5 = arith.addi %scan3A_3, %scan3A_4 : i32
    %scan3A_6 = arith.constant 1 : i32
    scf.for %scan3A_8 = %scan3A_3 to %scan3A_5 step %scan3A_6  : i32 {
      %mul3A_9 = arith.constant 128 : i32
      %mul3A_10 = arith.muli %scan3A_8, %mul3A_9 : i32
      %add3A_11 = arith.addi %mul3A_2, %mul3A_10 : i32
      "tpu.region"() ({
        %run_scoped3A = tpu.sem_alloc : memref<!tpu.dma_semaphore, #tpu.memory_space<semaphore_mem>>
        %dma_start3A_16 = tpu.memref_slice %arg2[%add3A_11] : memref<8192xi32, #tpu.memory_space<hbm>> -> memref<128xi32, #tpu.memory_space<hbm>>
        %dma_start3A_17 = tpu.memref_slice %arg2[%add3A_11] : memref<8192xi32, #tpu.memory_space<hbm>> -> memref<128xi32, #tpu.memory_space<hbm>>
        tpu.enqueue_dma source(%dma_start3A_17 : memref<128xi32, #tpu.memory_space<hbm>>) target(%arg5 : memref<128xi32, #tpu.memory_space<vmem>>) target_semaphore(%run_scoped3A : memref<!tpu.dma_semaphore, #tpu.memory_space<semaphore_mem>>)
        %dma_wait3A_18 = tpu.memref_slice %arg2[%add3A_11] : memref<8192xi32, #tpu.memory_space<hbm>> -> memref<128xi32, #tpu.memory_space<hbm>>
        %dma_wait3A_19 = tpu.memref_slice %arg2[%add3A_11] : memref<8192xi32, #tpu.memory_space<hbm>> -> memref<128xi32, #tpu.memory_space<hbm>>
        tpu.wait_dma2 semaphore(%run_scoped3A : memref<!tpu.dma_semaphore, #tpu.memory_space<semaphore_mem>>) src(%dma_wait3A_19 : memref<128xi32, #tpu.memory_space<hbm>>) dst(%arg5 : memref<128xi32, #tpu.memory_space<vmem>>)
        tpu.yield
      }) : () -> ()
      %dma_start3A = arith.constant 0 : i32
      %dma_start3A_12 = arith.constant 0 : i32
      %dma_start3A_13 = tpu.memref_slice %arg3[%dma_start3A, %dma_start3A_12] : memref<8192x256xf32, #tpu.memory_space<hbm>> -> memref<8192x256xf32, #tpu.memory_space<hbm>>
      tpu.enqueue_indirect_dma source(%dma_start3A_13 : memref<8192x256xf32, #tpu.memory_space<hbm>>) target(%arg6 : memref<128x256xf32, #tpu.memory_space<vmem>>) offsets(%arg5 : memref<128xi32, #tpu.memory_space<vmem>>) semaphore(%arg7 : memref<!tpu.dma_semaphore, #tpu.memory_space<semaphore_mem>>)
      %dma_wait3A = arith.constant 0 : i32
      %dma_wait3A_14 = arith.constant 0 : i32
      %dma_wait3A_15 = tpu.memref_slice %arg3[%dma_wait3A, %dma_wait3A_14] : memref<8192x256xf32, #tpu.memory_space<hbm>> -> memref<8192x256xf32, #tpu.memory_space<hbm>>
      tpu.wait_indirect_dma semaphore(%arg7 : memref<!tpu.dma_semaphore, #tpu.memory_space<semaphore_mem>>) src(%dma_wait3A_15 : memref<8192x256xf32, #tpu.memory_space<hbm>>) dst(%arg6 : memref<128x256xf32, #tpu.memory_space<vmem>>)
      "tpu.region"() ({
        %run_scoped3A = tpu.sem_alloc : memref<!tpu.dma_semaphore, #tpu.memory_space<semaphore_mem>>
        %dma_start3A_16 = arith.constant 0 : i32
        %dma_start3A_17 = tpu.memref_slice %arg4[%add3A_11, %dma_start3A_16] : memref<8192x256xf32, #tpu.memory_space<hbm>> -> memref<128x256xf32, #tpu.memory_space<hbm>>
        %dma_start3A_18 = arith.constant 0 : i32
        %dma_start3A_19 = tpu.memref_slice %arg4[%add3A_11, %dma_start3A_18] : memref<8192x256xf32, #tpu.memory_space<hbm>> -> memref<128x256xf32, #tpu.memory_space<hbm>>
        tpu.enqueue_dma source(%arg6 : memref<128x256xf32, #tpu.memory_space<vmem>>) target(%dma_start3A_19 : memref<128x256xf32, #tpu.memory_space<hbm>>) target_semaphore(%run_scoped3A : memref<!tpu.dma_semaphore, #tpu.memory_space<semaphore_mem>>)
        %dma_wait3A_20 = arith.constant 0 : i32
        %dma_wait3A_21 = tpu.memref_slice %arg4[%add3A_11, %dma_wait3A_20] : memref<8192x256xf32, #tpu.memory_space<hbm>> -> memref<128x256xf32, #tpu.memory_space<hbm>>
        %dma_wait3A_22 = arith.constant 0 : i32
        %dma_wait3A_23 = tpu.memref_slice %arg4[%add3A_11, %dma_wait3A_22] : memref<8192x256xf32, #tpu.memory_space<hbm>> -> memref<128x256xf32, #tpu.memory_space<hbm>>
        tpu.wait_dma2 semaphore(%run_scoped3A : memref<!tpu.dma_semaphore, #tpu.memory_space<semaphore_mem>>) src(%arg6 : memref<128x256xf32, #tpu.memory_space<vmem>>) dst(%dma_wait3A_23 : memref<128x256xf32, #tpu.memory_space<hbm>>)
        tpu.yield
      }) : () -> ()
    }
    %scan3A_7 = arith.constant 2 : i32
    return
  }
}

module attributes {stable_mosaic.version = 14 : i64} {
  func.func @_enc_vq_body(%arg0: i32, %arg1: memref<256x2048xf32, #tpu.memory_space<vmem>>, %arg2: memref<2048x1024xf32, #tpu.memory_space<vmem>>, %arg3: memref<1x1024xf32, #tpu.memory_space<vmem>>, %arg4: memref<1024x512xf32, #tpu.memory_space<vmem>>, %arg5: memref<1x512xf32, #tpu.memory_space<vmem>>, %arg6: memref<512x512xf32, #tpu.memory_space<vmem>>, %arg7: memref<1x512xf32, #tpu.memory_space<vmem>>, %arg8: memref<512x256xf32, #tpu.memory_space<vmem>>, %arg9: memref<1x256xf32, #tpu.memory_space<vmem>>, %arg10: memref<8192x256xf32, #tpu.memory_space<vmem>>, %arg11: memref<256x256xf32, #tpu.memory_space<vmem>>, %arg12: memref<256x1xi32, #tpu.memory_space<vmem>>, %arg13: memref<1x8192xf32, #tpu.memory_space<vmem>>) attributes {dimension_semantics = [#tpu.dimension_semantics<arbitrary>], iteration_bounds = array<i64: 32>, scalar_prefetch = 0 : i64, scratch_operands = 1 : i64, tpu.core_type = #tpu.core_type<tc>, window_params = [{transform_indices = @transform_0, window_bounds = array<i64: 256, 2048>}, {pipeline_mode = #tpu.pipeline_mode<synchronous>, transform_indices = @transform_1, window_bounds = array<i64: 2048, 1024>}, {pipeline_mode = #tpu.pipeline_mode<synchronous>, transform_indices = @transform_2, window_bounds = array<i64: 1, 1024>}, {pipeline_mode = #tpu.pipeline_mode<synchronous>, transform_indices = @transform_3, window_bounds = array<i64: 1024, 512>}, {pipeline_mode = #tpu.pipeline_mode<synchronous>, transform_indices = @transform_4, window_bounds = array<i64: 1, 512>}, {pipeline_mode = #tpu.pipeline_mode<synchronous>, transform_indices = @transform_5, window_bounds = array<i64: 512, 512>}, {pipeline_mode = #tpu.pipeline_mode<synchronous>, transform_indices = @transform_6, window_bounds = array<i64: 1, 512>}, {pipeline_mode = #tpu.pipeline_mode<synchronous>, transform_indices = @transform_7, window_bounds = array<i64: 512, 256>}, {pipeline_mode = #tpu.pipeline_mode<synchronous>, transform_indices = @transform_8, window_bounds = array<i64: 1, 256>}, {pipeline_mode = #tpu.pipeline_mode<synchronous>, transform_indices = @transform_9, window_bounds = array<i64: 8192, 256>}, {transform_indices = @transform_10, window_bounds = array<i64: 256, 256>}, {transform_indices = @transform_11, window_bounds = array<i64: 256, 1>}]} {
    %eq3A = arith.constant 0 : i32
    %eq3A_0 = arith.cmpi eq, %arg0, %eq3A : i32
    %convert_element_type3A = arith.extui %eq3A_0 : i1 to i32
    %cond3A = arith.constant 0 : i32
    %cond3A_1 = arith.cmpi ne, %convert_element_type3A, %cond3A : i32
    scf.if %cond3A_1 {
      %get3A_78 = arith.constant 0 : index
      %get3A_79 = arith.constant 0 : index
      %get3A_80 = vector.load %arg10[%get3A_78, %get3A_79] : memref<8192x256xf32, #tpu.memory_space<vmem>>, vector<8192x256xf32>
      %mul3A_81 = arith.mulf %get3A_80, %get3A_80 : vector<8192x256xf32>
      %reduce_sum3A_82 = arith.constant dense<0.000000e+00> : vector<8192xf32>
      %reduce_sum3A_83 = vector.multi_reduction <add>, %mul3A_81, %reduce_sum3A_82 [1] : vector<8192x256xf32> to vector<8192xf32>
      %broadcast_in_dim3A_84 = vector.shape_cast %reduce_sum3A_83 : vector<8192xf32> to vector<1x8192xf32>
      %swap3A_85 = arith.constant 0 : index
      %swap3A_86 = arith.constant 0 : index
      %swap3A_87 = vector.load %arg13[%swap3A_85, %swap3A_86] : memref<1x8192xf32, #tpu.memory_space<vmem>>, vector<1x8192xf32>
      tpu.vector_store %arg13[%swap3A_85, %swap3A_86], %broadcast_in_dim3A_84 {strides = array<i32>} : memref<1x8192xf32, #tpu.memory_space<vmem>>, vector<1x8192xf32>,
    } else {
    }
    %get3A = arith.constant 0 : index
    %get3A_2 = arith.constant 0 : index
    %get3A_3 = vector.load %arg1[%get3A, %get3A_2] : memref<256x2048xf32, #tpu.memory_space<vmem>>, vector<256x2048xf32>
    %get3A_4 = arith.constant 0 : index
    %get3A_5 = arith.constant 0 : index
    %get3A_6 = vector.load %arg2[%get3A_4, %get3A_5] : memref<2048x1024xf32, #tpu.memory_space<vmem>>, vector<2048x1024xf32>
    %dot_general3A = arith.constant dense<0.000000e+00> : vector<256x1024xf32>
    %dot_general3A_7 = tpu.matmul %get3A_3, %get3A_6, %dot_general3A {dimension_numbers = #tpu.dot_dimension_numbers<[1], [0], [0], [1], [0, 0, 1, 1], [], []>, precision = #tpu.contract_precision<fp32>, transpose_lhs_hint = false} : vector<256x2048xf32>, vector<2048x1024xf32>, vector<256x1024xf32> -> vector<256x1024xf32>
    %get3A_8 = arith.constant 0 : index
    %get3A_9 = arith.constant 0 : index
    %get3A_10 = vector.load %arg3[%get3A_8, %get3A_9] : memref<1x1024xf32, #tpu.memory_space<vmem>>, vector<1x1024xf32>
    %add3A = vector.broadcast %get3A_10 : vector<1x1024xf32> to vector<256x1024xf32>
    %add3A_11 = arith.addf %dot_general3A_7, %add3A : vector<256x1024xf32>
    %max3A = arith.constant 0.000000e+00 : f32
    %max3A_12 = vector.broadcast %max3A : f32 to vector<256x1024xf32>
    %max3A_13 = arith.maximumf %add3A_11, %max3A_12 : vector<256x1024xf32>
    %get3A_14 = arith.constant 0 : index
    %get3A_15 = arith.constant 0 : index
    %get3A_16 = vector.load %arg4[%get3A_14, %get3A_15] : memref<1024x512xf32, #tpu.memory_space<vmem>>, vector<1024x512xf32>
    %dot_general3A_17 = arith.constant dense<0.000000e+00> : vector<256x512xf32>
    %dot_general3A_18 = tpu.matmul %max3A_13, %get3A_16, %dot_general3A_17 {dimension_numbers = #tpu.dot_dimension_numbers<[1], [0], [0], [1], [0, 0, 1, 1], [], []>, precision = #tpu.contract_precision<fp32>, transpose_lhs_hint = false} : vector<256x1024xf32>, vector<1024x512xf32>, vector<256x512xf32> -> vector<256x512xf32>
    %get3A_19 = arith.constant 0 : index
    %get3A_20 = arith.constant 0 : index
    %get3A_21 = vector.load %arg5[%get3A_19, %get3A_20] : memref<1x512xf32, #tpu.memory_space<vmem>>, vector<1x512xf32>
    %add3A_22 = vector.broadcast %get3A_21 : vector<1x512xf32> to vector<256x512xf32>
    %add3A_23 = arith.addf %dot_general3A_18, %add3A_22 : vector<256x512xf32>
    %max3A_24 = arith.constant 0.000000e+00 : f32
    %max3A_25 = vector.broadcast %max3A_24 : f32 to vector<256x512xf32>
    %max3A_26 = arith.maximumf %add3A_23, %max3A_25 : vector<256x512xf32>
    %get3A_27 = arith.constant 0 : index
    %get3A_28 = arith.constant 0 : index
    %get3A_29 = vector.load %arg6[%get3A_27, %get3A_28] : memref<512x512xf32, #tpu.memory_space<vmem>>, vector<512x512xf32>
    %dot_general3A_30 = arith.constant dense<0.000000e+00> : vector<256x512xf32>
    %dot_general3A_31 = tpu.matmul %max3A_26, %get3A_29, %dot_general3A_30 {dimension_numbers = #tpu.dot_dimension_numbers<[1], [0], [0], [1], [0, 0, 1, 1], [], []>, precision = #tpu.contract_precision<fp32>, transpose_lhs_hint = false} : vector<256x512xf32>, vector<512x512xf32>, vector<256x512xf32> -> vector<256x512xf32>
    %get3A_32 = arith.constant 0 : index
    %get3A_33 = arith.constant 0 : index
    %get3A_34 = vector.load %arg7[%get3A_32, %get3A_33] : memref<1x512xf32, #tpu.memory_space<vmem>>, vector<1x512xf32>
    %add3A_35 = vector.broadcast %get3A_34 : vector<1x512xf32> to vector<256x512xf32>
    %add3A_36 = arith.addf %dot_general3A_31, %add3A_35 : vector<256x512xf32>
    %max3A_37 = arith.constant 0.000000e+00 : f32
    %max3A_38 = vector.broadcast %max3A_37 : f32 to vector<256x512xf32>
    %max3A_39 = arith.maximumf %add3A_36, %max3A_38 : vector<256x512xf32>
    %get3A_40 = arith.constant 0 : index
    %get3A_41 = arith.constant 0 : index
    %get3A_42 = vector.load %arg8[%get3A_40, %get3A_41] : memref<512x256xf32, #tpu.memory_space<vmem>>, vector<512x256xf32>
    %dot_general3A_43 = arith.constant dense<0.000000e+00> : vector<256x256xf32>
    %dot_general3A_44 = tpu.matmul %max3A_39, %get3A_42, %dot_general3A_43 {dimension_numbers = #tpu.dot_dimension_numbers<[1], [0], [0], [1], [0, 0, 1, 1], [], []>, precision = #tpu.contract_precision<fp32>, transpose_lhs_hint = false} : vector<256x512xf32>, vector<512x256xf32>, vector<256x256xf32> -> vector<256x256xf32>
    %get3A_45 = arith.constant 0 : index
    %get3A_46 = arith.constant 0 : index
    %get3A_47 = vector.load %arg9[%get3A_45, %get3A_46] : memref<1x256xf32, #tpu.memory_space<vmem>>, vector<1x256xf32>
    %add3A_48 = vector.broadcast %get3A_47 : vector<1x256xf32> to vector<256x256xf32>
    %add3A_49 = arith.addf %dot_general3A_44, %add3A_48 : vector<256x256xf32>
    %swap3A = arith.constant 0 : index
    %swap3A_50 = arith.constant 0 : index
    %swap3A_51 = vector.load %arg11[%swap3A, %swap3A_50] : memref<256x256xf32, #tpu.memory_space<vmem>>, vector<256x256xf32>
    tpu.vector_store %arg11[%swap3A, %swap3A_50], %add3A_49 {strides = array<i32>} : memref<256x256xf32, #tpu.memory_space<vmem>>, vector<256x256xf32>,
    %get3A_52 = arith.constant 0 : index
    %get3A_53 = arith.constant 0 : index
    %get3A_54 = vector.load %arg10[%get3A_52, %get3A_53] : memref<8192x256xf32, #tpu.memory_space<vmem>>, vector<8192x256xf32>
    %dot_general3A_55 = arith.constant dense<0.000000e+00> : vector<256x8192xf32>
    %dot_general3A_56 = tpu.matmul %add3A_49, %get3A_54, %dot_general3A_55 {dimension_numbers = #tpu.dot_dimension_numbers<[1], [1], [0], [0], [0, 0, 1, 0], [], []>, precision = #tpu.contract_precision<fp32>, transpose_lhs_hint = false} : vector<256x256xf32>, vector<8192x256xf32>, vector<256x8192xf32> -> vector<256x8192xf32>
    %mul3A = arith.mulf %add3A_49, %add3A_49 : vector<256x256xf32>
    %reduce_sum3A = arith.constant dense<0.000000e+00> : vector<256xf32>
    %reduce_sum3A_57 = vector.multi_reduction <add>, %mul3A, %reduce_sum3A [1] : vector<256x256xf32> to vector<256xf32>
    %broadcast_in_dim3A = vector.shape_cast %reduce_sum3A_57 : vector<256xf32> to vector<256x1xf32>
    %mul3A_58 = arith.constant 2.000000e+00 : f32
    %mul3A_59 = vector.broadcast %mul3A_58 : f32 to vector<256x8192xf32>
    %mul3A_60 = arith.mulf %mul3A_59, %dot_general3A_56 : vector<256x8192xf32>
    %sub3A = vector.broadcast %broadcast_in_dim3A : vector<256x1xf32> to vector<256x8192xf32>
    %sub3A_61 = arith.subf %sub3A, %mul3A_60 : vector<256x8192xf32>
    %get3A_62 = arith.constant 0 : index
    %get3A_63 = arith.constant 0 : index
    %get3A_64 = vector.load %arg13[%get3A_62, %get3A_63] : memref<1x8192xf32, #tpu.memory_space<vmem>>, vector<1x8192xf32>
    %add3A_65 = vector.broadcast %get3A_64 : vector<1x8192xf32> to vector<256x8192xf32>
    %add3A_66 = arith.addf %sub3A_61, %add3A_65 : vector<256x8192xf32>
    %reduce_min3A = arith.constant dense<0x7F800000> : vector<256xf32>
    %reduce_min3A_67 = vector.multi_reduction <minimumf>, %add3A_66, %reduce_min3A [1] : vector<256x8192xf32> to vector<256xf32>
    %broadcast_in_dim3A_68 = vector.shape_cast %reduce_min3A_67 : vector<256xf32> to vector<256x1xf32>
    %iota3A = tpu.iota {dimensions = array<i32: 1>} : vector<256x8192xi32>
    %eq3A_69 = vector.broadcast %broadcast_in_dim3A_68 : vector<256x1xf32> to vector<256x8192xf32>
    %eq3A_70 = arith.cmpf oeq, %add3A_66, %eq3A_69 : vector<256x8192xf32>
    %jit3A = arith.constant 8192 : i32
    %broadcast_in_dim3A_71 = vector.broadcast %jit3A : i32 to vector<256x8192xi32>
    %select_n3A = arith.select %eq3A_70, %iota3A, %broadcast_in_dim3A_71 : vector<256x8192xi1>, vector<256x8192xi32>
    %reduce_min3A_72 = arith.constant dense<2147483647> : vector<256xi32>
    %reduce_min3A_73 = vector.multi_reduction <minsi>, %select_n3A, %reduce_min3A_72 [1] : vector<256x8192xi32> to vector<256xi32>
    %broadcast_in_dim3A_74 = vector.shape_cast %reduce_min3A_73 : vector<256xi32> to vector<256x1xi32>
    %swap3A_75 = arith.constant 0 : index
    %swap3A_76 = arith.constant 0 : index
    %swap3A_77 = vector.load %arg12[%swap3A_75, %swap3A_76] : memref<256x1xi32, #tpu.memory_space<vmem>>, vector<256x1xi32>
    tpu.vector_store %arg12[%swap3A_75, %swap3A_76], %broadcast_in_dim3A_74 {strides = array<i32>} : memref<256x1xi32, #tpu.memory_space<vmem>>, vector<256x1xi32>,
    return
  }
  func.func @transform_0(%arg0: i32) -> (i32, i32) {
    %c0_i32 = arith.constant 0 : i32
    %c0_i32_0 = arith.constant 0 : i32
    return %arg0, %c0_i32 : i32, i32
  }
  func.func @transform_1(%arg0: i32) -> (i32, i32) {
    %c0_i32 = arith.constant 0 : i32
    %c0_i32_0 = arith.constant 0 : i32
    %c0_i32_1 = arith.constant 0 : i32
    return %c0_i32, %c0_i32_0 : i32, i32
  }
  func.func @transform_2(%arg0: i32) -> (i32, i32) {
    %c0_i32 = arith.constant 0 : i32
    %c0_i32_0 = arith.constant 0 : i32
    %c0_i32_1 = arith.constant 0 : i32
    return %c0_i32, %c0_i32_0 : i32, i32
  }
  func.func @transform_3(%arg0: i32) -> (i32, i32) {
    %c0_i32 = arith.constant 0 : i32
    %c0_i32_0 = arith.constant 0 : i32
    %c0_i32_1 = arith.constant 0 : i32
    return %c0_i32, %c0_i32_0 : i32, i32
  }
  func.func @transform_4(%arg0: i32) -> (i32, i32) {
    %c0_i32 = arith.constant 0 : i32
    %c0_i32_0 = arith.constant 0 : i32
    %c0_i32_1 = arith.constant 0 : i32
    return %c0_i32, %c0_i32_0 : i32, i32
  }
  func.func @transform_5(%arg0: i32) -> (i32, i32) {
    %c0_i32 = arith.constant 0 : i32
    %c0_i32_0 = arith.constant 0 : i32
    %c0_i32_1 = arith.constant 0 : i32
    return %c0_i32, %c0_i32_0 : i32, i32
  }
  func.func @transform_6(%arg0: i32) -> (i32, i32) {
    %c0_i32 = arith.constant 0 : i32
    %c0_i32_0 = arith.constant 0 : i32
    %c0_i32_1 = arith.constant 0 : i32
    return %c0_i32, %c0_i32_0 : i32, i32
  }
  func.func @transform_7(%arg0: i32) -> (i32, i32) {
    %c0_i32 = arith.constant 0 : i32
    %c0_i32_0 = arith.constant 0 : i32
    %c0_i32_1 = arith.constant 0 : i32
    return %c0_i32, %c0_i32_0 : i32, i32
  }
  func.func @transform_8(%arg0: i32) -> (i32, i32) {
    %c0_i32 = arith.constant 0 : i32
    %c0_i32_0 = arith.constant 0 : i32
    %c0_i32_1 = arith.constant 0 : i32
    return %c0_i32, %c0_i32_0 : i32, i32
  }
  func.func @transform_9(%arg0: i32) -> (i32, i32) {
    %c0_i32 = arith.constant 0 : i32
    %c0_i32_0 = arith.constant 0 : i32
    %c0_i32_1 = arith.constant 0 : i32
    return %c0_i32, %c0_i32_0 : i32, i32
  }
  func.func @transform_10(%arg0: i32) -> (i32, i32) {
    %c0_i32 = arith.constant 0 : i32
    %c0_i32_0 = arith.constant 0 : i32
    return %arg0, %c0_i32 : i32, i32
  }
  func.func @transform_11(%arg0: i32) -> (i32, i32) {
    %c0_i32 = arith.constant 0 : i32
    %c0_i32_0 = arith.constant 0 : i32
    return %arg0, %c0_i32 : i32, i32
  }
}

module attributes {stable_mosaic.version = 14 : i64} {
  func.func @_dec_body(%arg0: i32, %arg1: memref<256x256xf32, #tpu.memory_space<vmem>>, %arg2: memref<256x256xf32, #tpu.memory_space<vmem>>, %arg3: memref<256x1xi32, #tpu.memory_space<vmem>>, %arg4: memref<256x2xf32, #tpu.memory_space<vmem>>, %arg5: memref<256x512xf32, #tpu.memory_space<vmem>>, %arg6: memref<1x512xf32, #tpu.memory_space<vmem>>, %arg7: memref<512x512xf32, #tpu.memory_space<vmem>>, %arg8: memref<1x512xf32, #tpu.memory_space<vmem>>, %arg9: memref<512x256xf32, #tpu.memory_space<vmem>>, %arg10: memref<1x256xf32, #tpu.memory_space<vmem>>, %arg11: memref<256x2xf32, #tpu.memory_space<vmem>>, %arg12: memref<1x2xf32, #tpu.memory_space<vmem>>, %arg13: memref<256x2xf32, #tpu.memory_space<vmem>>, %arg14: memref<256x256xf32, #tpu.memory_space<vmem>>, %arg15: memref<1x1xf32, #tpu.memory_space<vmem>>, %arg16: memref<1x1xf32, #tpu.memory_space<vmem>>, %arg17: memref<1x1xf32, #tpu.memory_space<vmem>>, %arg18: memref<1x1xf32, #tpu.memory_space<vmem>>, %arg19: memref<1x8192xf32, #tpu.memory_space<vmem>>, %arg20: memref<1xf32, #tpu.memory_space<smem>>, %arg21: memref<1xf32, #tpu.memory_space<smem>>) attributes {dimension_semantics = [#tpu.dimension_semantics<arbitrary>], iteration_bounds = array<i64: 32>, scalar_prefetch = 0 : i64, scratch_operands = 3 : i64, tpu.core_type = #tpu.core_type<tc>, window_params = [{transform_indices = @transform_0, window_bounds = array<i64: 256, 256>}, {transform_indices = @transform_1, window_bounds = array<i64: 256, 256>}, {transform_indices = @transform_2, window_bounds = array<i64: 256, 1>}, {transform_indices = @transform_3, window_bounds = array<i64: 256, 2>}, {pipeline_mode = #tpu.pipeline_mode<synchronous>, transform_indices = @transform_4, window_bounds = array<i64: 256, 512>}, {pipeline_mode = #tpu.pipeline_mode<synchronous>, transform_indices = @transform_5, window_bounds = array<i64: 1, 512>}, {pipeline_mode = #tpu.pipeline_mode<synchronous>, transform_indices = @transform_6, window_bounds = array<i64: 512, 512>}, {pipeline_mode = #tpu.pipeline_mode<synchronous>, transform_indices = @transform_7, window_bounds = array<i64: 1, 512>}, {pipeline_mode = #tpu.pipeline_mode<synchronous>, transform_indices = @transform_8, window_bounds = array<i64: 512, 256>}, {pipeline_mode = #tpu.pipeline_mode<synchronous>, transform_indices = @transform_9, window_bounds = array<i64: 1, 256>}, {pipeline_mode = #tpu.pipeline_mode<synchronous>, transform_indices = @transform_10, window_bounds = array<i64: 256, 2>}, {pipeline_mode = #tpu.pipeline_mode<synchronous>, transform_indices = @transform_11, window_bounds = array<i64: 1, 2>}, {transform_indices = @transform_12, window_bounds = array<i64: 256, 2>}, {transform_indices = @transform_13, window_bounds = array<i64: 256, 256>}, {pipeline_mode = #tpu.pipeline_mode<synchronous>, transform_indices = @transform_14, window_bounds = array<i64: 1, 1>}, {pipeline_mode = #tpu.pipeline_mode<synchronous>, transform_indices = @transform_15, window_bounds = array<i64: 1, 1>}, {pipeline_mode = #tpu.pipeline_mode<synchronous>, transform_indices = @transform_16, window_bounds = array<i64: 1, 1>}, {pipeline_mode = #tpu.pipeline_mode<synchronous>, transform_indices = @transform_17, window_bounds = array<i64: 1, 1>}]} {
    %get3A = arith.constant 0 : index
    %get3A_0 = arith.constant 0 : index
    %get3A_1 = vector.load %arg1[%get3A, %get3A_0] : memref<256x256xf32, #tpu.memory_space<vmem>>, vector<256x256xf32>
    %get3A_2 = arith.constant 0 : index
    %get3A_3 = arith.constant 0 : index
    %get3A_4 = vector.load %arg2[%get3A_2, %get3A_3] : memref<256x256xf32, #tpu.memory_space<vmem>>, vector<256x256xf32>
    %sub3A = arith.subf %get3A_1, %get3A_4 : vector<256x256xf32>
    %add3A = arith.addf %get3A_4, %sub3A : vector<256x256xf32>
    %swap3A = arith.constant 0 : index
    %swap3A_5 = arith.constant 0 : index
    %swap3A_6 = vector.load %arg14[%swap3A, %swap3A_5] : memref<256x256xf32, #tpu.memory_space<vmem>>, vector<256x256xf32>
    tpu.vector_store %arg14[%swap3A, %swap3A_5], %add3A {strides = array<i32>} : memref<256x256xf32, #tpu.memory_space<vmem>>, vector<256x256xf32>,
    %get3A_7 = arith.constant 0 : index
    %get3A_8 = arith.constant 0 : index
    %get3A_9 = vector.load %arg5[%get3A_7, %get3A_8] : memref<256x512xf32, #tpu.memory_space<vmem>>, vector<256x512xf32>
    %dot_general3A = arith.constant dense<0.000000e+00> : vector<256x512xf32>
    %dot_general3A_10 = tpu.matmul %add3A, %get3A_9, %dot_general3A {dimension_numbers = #tpu.dot_dimension_numbers<[1], [0], [0], [1], [0, 0, 1, 1], [], []>, precision = #tpu.contract_precision<fp32>, transpose_lhs_hint = false} : vector<256x256xf32>, vector<256x512xf32>, vector<256x512xf32> -> vector<256x512xf32>
    %get3A_11 = arith.constant 0 : index
    %get3A_12 = arith.constant 0 : index
    %get3A_13 = vector.load %arg6[%get3A_11, %get3A_12] : memref<1x512xf32, #tpu.memory_space<vmem>>, vector<1x512xf32>
    %add3A_14 = vector.broadcast %get3A_13 : vector<1x512xf32> to vector<256x512xf32>
    %add3A_15 = arith.addf %dot_general3A_10, %add3A_14 : vector<256x512xf32>
    %max3A = arith.constant 0.000000e+00 : f32
    %max3A_16 = vector.broadcast %max3A : f32 to vector<256x512xf32>
    %max3A_17 = arith.maximumf %add3A_15, %max3A_16 : vector<256x512xf32>
    %get3A_18 = arith.constant 0 : index
    %get3A_19 = arith.constant 0 : index
    %get3A_20 = vector.load %arg7[%get3A_18, %get3A_19] : memref<512x512xf32, #tpu.memory_space<vmem>>, vector<512x512xf32>
    %dot_general3A_21 = arith.constant dense<0.000000e+00> : vector<256x512xf32>
    %dot_general3A_22 = tpu.matmul %max3A_17, %get3A_20, %dot_general3A_21 {dimension_numbers = #tpu.dot_dimension_numbers<[1], [0], [0], [1], [0, 0, 1, 1], [], []>, precision = #tpu.contract_precision<fp32>, transpose_lhs_hint = false} : vector<256x512xf32>, vector<512x512xf32>, vector<256x512xf32> -> vector<256x512xf32>
    %get3A_23 = arith.constant 0 : index
    %get3A_24 = arith.constant 0 : index
    %get3A_25 = vector.load %arg8[%get3A_23, %get3A_24] : memref<1x512xf32, #tpu.memory_space<vmem>>, vector<1x512xf32>
    %add3A_26 = vector.broadcast %get3A_25 : vector<1x512xf32> to vector<256x512xf32>
    %add3A_27 = arith.addf %dot_general3A_22, %add3A_26 : vector<256x512xf32>
    %max3A_28 = arith.constant 0.000000e+00 : f32
    %max3A_29 = vector.broadcast %max3A_28 : f32 to vector<256x512xf32>
    %max3A_30 = arith.maximumf %add3A_27, %max3A_29 : vector<256x512xf32>
    %get3A_31 = arith.constant 0 : index
    %get3A_32 = arith.constant 0 : index
    %get3A_33 = vector.load %arg9[%get3A_31, %get3A_32] : memref<512x256xf32, #tpu.memory_space<vmem>>, vector<512x256xf32>
    %dot_general3A_34 = arith.constant dense<0.000000e+00> : vector<256x256xf32>
    %dot_general3A_35 = tpu.matmul %max3A_30, %get3A_33, %dot_general3A_34 {dimension_numbers = #tpu.dot_dimension_numbers<[1], [0], [0], [1], [0, 0, 1, 1], [], []>, precision = #tpu.contract_precision<fp32>, transpose_lhs_hint = false} : vector<256x512xf32>, vector<512x256xf32>, vector<256x256xf32> -> vector<256x256xf32>
    %get3A_36 = arith.constant 0 : index
    %get3A_37 = arith.constant 0 : index
    %get3A_38 = vector.load %arg10[%get3A_36, %get3A_37] : memref<1x256xf32, #tpu.memory_space<vmem>>, vector<1x256xf32>
    %add3A_39 = vector.broadcast %get3A_38 : vector<1x256xf32> to vector<256x256xf32>
    %add3A_40 = arith.addf %dot_general3A_35, %add3A_39 : vector<256x256xf32>
    %max3A_41 = arith.constant 0.000000e+00 : f32
    %max3A_42 = vector.broadcast %max3A_41 : f32 to vector<256x256xf32>
    %max3A_43 = arith.maximumf %add3A_40, %max3A_42 : vector<256x256xf32>
    %get3A_44 = arith.constant 0 : index
    %get3A_45 = arith.constant 0 : index
    %get3A_46 = vector.load %arg11[%get3A_44, %get3A_45] : memref<256x2xf32, #tpu.memory_space<vmem>>, vector<256x2xf32>
    %dot_general3A_47 = arith.constant dense<0.000000e+00> : vector<256x2xf32>
    %dot_general3A_48 = tpu.matmul %max3A_43, %get3A_46, %dot_general3A_47 {dimension_numbers = #tpu.dot_dimension_numbers<[1], [0], [0], [1], [0, 0, 1, 1], [], []>, precision = #tpu.contract_precision<fp32>, transpose_lhs_hint = false} : vector<256x256xf32>, vector<256x2xf32>, vector<256x2xf32> -> vector<256x2xf32>
    %get3A_49 = arith.constant 0 : index
    %get3A_50 = arith.constant 0 : index
    %get3A_51 = vector.load %arg12[%get3A_49, %get3A_50] : memref<1x2xf32, #tpu.memory_space<vmem>>, vector<1x2xf32>
    %add3A_52 = vector.broadcast %get3A_51 : vector<1x2xf32> to vector<256x2xf32>
    %add3A_53 = arith.addf %dot_general3A_48, %add3A_52 : vector<256x2xf32>
    %swap3A_54 = arith.constant 0 : index
    %swap3A_55 = arith.constant 0 : index
    %swap3A_56 = vector.load %arg13[%swap3A_54, %swap3A_55] : memref<256x2xf32, #tpu.memory_space<vmem>>, vector<256x2xf32>
    tpu.vector_store %arg13[%swap3A_54, %swap3A_55], %add3A_53 {strides = array<i32>} : memref<256x2xf32, #tpu.memory_space<vmem>>, vector<256x2xf32>,
    %sub3A_57 = arith.subf %get3A_1, %get3A_4 : vector<256x256xf32>
    %integer_pow3A = arith.mulf %sub3A_57, %sub3A_57 : vector<256x256xf32>
    %reduce_sum3A = vector.shape_cast %integer_pow3A : vector<256x256xf32> to vector<1x256x256xf32>
    %reduce_sum3A_58 = arith.constant dense<0.000000e+00> : vector<1xf32>
    %reduce_sum3A_59 = vector.multi_reduction <add>, %reduce_sum3A, %reduce_sum3A_58 [1, 2] : vector<1x256x256xf32> to vector<1xf32>
    %reduce_sum3A_60 = vector.shape_cast %reduce_sum3A_59 : vector<1xf32> to vector<1x1x1xf32>
    %reduce_sum3A_61 = vector.extract %reduce_sum3A_60[0, 0, 0] : f32 from vector<1x1x1xf32>
    %get3A_62 = arith.constant 0 : index
    %get3A_63 = arith.constant 0 : index
    %get3A_64 = vector.load %arg4[%get3A_62, %get3A_63] : memref<256x2xf32, #tpu.memory_space<vmem>>, vector<256x2xf32>
    %sub3A_65 = arith.subf %add3A_53, %get3A_64 : vector<256x2xf32>
    %integer_pow3A_66 = arith.mulf %sub3A_65, %sub3A_65 : vector<256x2xf32>
    %reduce_sum3A_67 = vector.shape_cast %integer_pow3A_66 : vector<256x2xf32> to vector<1x256x2xf32>
    %reduce_sum3A_68 = arith.constant dense<0.000000e+00> : vector<1xf32>
    %reduce_sum3A_69 = vector.multi_reduction <add>, %reduce_sum3A_67, %reduce_sum3A_68 [1, 2] : vector<1x256x2xf32> to vector<1xf32>
    %reduce_sum3A_70 = vector.shape_cast %reduce_sum3A_69 : vector<1xf32> to vector<1x1x1xf32>
    %reduce_sum3A_71 = vector.extract %reduce_sum3A_70[0, 0, 0] : f32 from vector<1x1x1xf32>
    %iota3A = tpu.iota {dimensions = array<i32: 1>} : vector<256x8192xi32>
    %get3A_72 = arith.constant 0 : index
    %get3A_73 = arith.constant 0 : index
    %get3A_74 = vector.load %arg3[%get3A_72, %get3A_73] : memref<256x1xi32, #tpu.memory_space<vmem>>, vector<256x1xi32>
    %eq3A = vector.broadcast %get3A_74 : vector<256x1xi32> to vector<256x8192xi32>
    %eq3A_75 = arith.cmpi eq, %eq3A, %iota3A : vector<256x8192xi32>
    %convert_element_type3A = arith.extui %eq3A_75 : vector<256x8192xi1> to vector<256x8192xi32>
    %convert_element_type3A_76 = arith.sitofp %convert_element_type3A : vector<256x8192xi32> to vector<256x8192xf32>
    %reduce_sum3A_77 = arith.constant dense<0.000000e+00> : vector<8192xf32>
    %reduce_sum3A_78 = vector.multi_reduction <add>, %convert_element_type3A_76, %reduce_sum3A_77 [0] : vector<256x8192xf32> to vector<8192xf32>
    %broadcast_in_dim3A = vector.shape_cast %reduce_sum3A_78 : vector<8192xf32> to vector<1x8192xf32>
    %eq3A_79 = arith.constant 0 : i32
    %eq3A_80 = arith.cmpi eq, %arg0, %eq3A_79 : i32
    %convert_element_type3A_81 = arith.extui %eq3A_80 : i1 to i32
    %cond3A = arith.constant 0 : i32
    %cond3A_82 = arith.cmpi ne, %convert_element_type3A_81, %cond3A : i32
    scf.if %cond3A_82 {
      %swap3A_105 = arith.constant 0.000000e+00 : f32
      %swap3A_106 = arith.constant 0 : index
      %swap3A_107 = memref.load %arg20[%swap3A_106] : memref<1xf32, #tpu.memory_space<smem>>
      memref.store %swap3A_105, %arg20[%swap3A_106] : memref<1xf32, #tpu.memory_space<smem>>
      %swap3A_108 = arith.constant 0.000000e+00 : f32
      %swap3A_109 = arith.constant 0 : index
      %swap3A_110 = memref.load %arg21[%swap3A_109] : memref<1xf32, #tpu.memory_space<smem>>
      memref.store %swap3A_108, %arg21[%swap3A_109] : memref<1xf32, #tpu.memory_space<smem>>
      %broadcast_in_dim3A_111 = arith.constant 0.000000e+00 : f32
      %broadcast_in_dim3A_112 = vector.broadcast %broadcast_in_dim3A_111 : f32 to vector<1x8192xf32>
      %swap3A_113 = arith.constant 0 : index
      %swap3A_114 = arith.constant 0 : index
      %swap3A_115 = vector.load %arg19[%swap3A_113, %swap3A_114] : memref<1x8192xf32, #tpu.memory_space<vmem>>, vector<1x8192xf32>
      tpu.vector_store %arg19[%swap3A_113, %swap3A_114], %broadcast_in_dim3A_112 {strides = array<i32>} : memref<1x8192xf32, #tpu.memory_space<vmem>>, vector<1x8192xf32>,
    } else {
    }
    %get3A_83 = arith.constant 0 : index
    %get3A_84 = memref.load %arg20[%get3A_83] : memref<1xf32, #tpu.memory_space<smem>>
    %add3A_85 = arith.addf %get3A_84, %reduce_sum3A_61 : f32
    %swap3A_86 = arith.constant 0 : index
    %swap3A_87 = memref.load %arg20[%swap3A_86] : memref<1xf32, #tpu.memory_space<smem>>
    memref.store %add3A_85, %arg20[%swap3A_86] : memref<1xf32, #tpu.memory_space<smem>>
    %get3A_88 = arith.constant 0 : index
    %get3A_89 = memref.load %arg21[%get3A_88] : memref<1xf32, #tpu.memory_space<smem>>
    %add3A_90 = arith.addf %get3A_89, %reduce_sum3A_71 : f32
    %swap3A_91 = arith.constant 0 : index
    %swap3A_92 = memref.load %arg21[%swap3A_91] : memref<1xf32, #tpu.memory_space<smem>>
    memref.store %add3A_90, %arg21[%swap3A_91] : memref<1xf32, #tpu.memory_space<smem>>
    %get3A_93 = arith.constant 0 : index
    %get3A_94 = arith.constant 0 : index
    %get3A_95 = vector.load %arg19[%get3A_93, %get3A_94] : memref<1x8192xf32, #tpu.memory_space<vmem>>, vector<1x8192xf32>
    %add3A_96 = arith.addf %get3A_95, %broadcast_in_dim3A : vector<1x8192xf32>
    %swap3A_97 = arith.constant 0 : index
    %swap3A_98 = arith.constant 0 : index
    %swap3A_99 = vector.load %arg19[%swap3A_97, %swap3A_98] : memref<1x8192xf32, #tpu.memory_space<vmem>>, vector<1x8192xf32>
    tpu.vector_store %arg19[%swap3A_97, %swap3A_98], %add3A_96 {strides = array<i32>} : memref<1x8192xf32, #tpu.memory_space<vmem>>, vector<1x8192xf32>,
    %eq3A_100 = arith.constant 31 : i32
    %eq3A_101 = arith.cmpi eq, %arg0, %eq3A_100 : i32
    %convert_element_type3A_102 = arith.extui %eq3A_101 : i1 to i32
    %cond3A_103 = arith.constant 0 : i32
    %cond3A_104 = arith.cmpi ne, %convert_element_type3A_102, %cond3A_103 : i32
    scf.if %cond3A_104 {
      %get3A_105 = arith.constant 0 : index
      %get3A_106 = memref.load %arg20[%get3A_105] : memref<1xf32, #tpu.memory_space<smem>>
      %mul3A = arith.constant 4.76837158E-7 : f32
      %mul3A_107 = arith.mulf %get3A_106, %mul3A : f32
      %mul3A_108 = arith.constant 2.500000e-01 : f32
      %mul3A_109 = arith.mulf %mul3A_108, %mul3A_107 : f32
      %add3A_110 = arith.addf %mul3A_107, %mul3A_109 : f32
      %get3A_111 = arith.constant 0 : index
      %get3A_112 = memref.load %arg21[%get3A_111] : memref<1xf32, #tpu.memory_space<smem>>
      %mul3A_113 = arith.constant 6.10351563E-5 : f32
      %mul3A_114 = arith.mulf %get3A_112, %mul3A_113 : f32
      %get3A_115 = arith.constant 0 : index
      %get3A_116 = arith.constant 0 : index
      %get3A_117 = vector.load %arg19[%get3A_115, %get3A_116] : memref<1x8192xf32, #tpu.memory_space<vmem>>, vector<1x8192xf32>
      %mul3A_118 = arith.constant 1.22070313E-4 : f32
      %mul3A_119 = vector.broadcast %mul3A_118 : f32 to vector<1x8192xf32>
      %mul3A_120 = arith.mulf %get3A_117, %mul3A_119 : vector<1x8192xf32>
      %add3A_121 = arith.constant 1.000000e-10 : f32
      %add3A_122 = vector.broadcast %add3A_121 : f32 to vector<1x8192xf32>
      %add3A_123 = arith.addf %mul3A_120, %add3A_122 : vector<1x8192xf32>
      %log3A = math.log %add3A_123 : vector<1x8192xf32>
      %mul3A_124 = arith.mulf %mul3A_120, %log3A : vector<1x8192xf32>
      %reduce_sum3A_125 = vector.shape_cast %mul3A_124 : vector<1x8192xf32> to vector<1x1x8192xf32>
      %reduce_sum3A_126 = arith.constant dense<0.000000e+00> : vector<1xf32>
      %reduce_sum3A_127 = vector.multi_reduction <add>, %reduce_sum3A_125, %reduce_sum3A_126 [1, 2] : vector<1x1x8192xf32> to vector<1xf32>
      %reduce_sum3A_128 = vector.shape_cast %reduce_sum3A_127 : vector<1xf32> to vector<1x1x1xf32>
      %reduce_sum3A_129 = vector.extract %reduce_sum3A_128[0, 0, 0] : f32 from vector<1x1x1xf32>
      %neg3A = arith.constant 0.000000e+00 : f32
      %neg3A_130 = arith.subf %neg3A, %reduce_sum3A_129 : f32
      %broadcast_in_dim3A_131 = vector.broadcast %add3A_110 : f32 to vector<1x1xf32>
      %swap3A_132 = arith.constant 0 : index
      %swap3A_133 = arith.constant 0 : index
      %swap3A_134 = vector.load %arg15[%swap3A_132, %swap3A_133] : memref<1x1xf32, #tpu.memory_space<vmem>>, vector<1x1xf32>
      tpu.vector_store %arg15[%swap3A_132, %swap3A_133], %broadcast_in_dim3A_131 {strides = array<i32>} : memref<1x1xf32, #tpu.memory_space<vmem>>, vector<1x1xf32>,
      %exp3A = math.exp %neg3A_130 : f32
      %broadcast_in_dim3A_135 = vector.broadcast %exp3A : f32 to vector<1x1xf32>
      %swap3A_136 = arith.constant 0 : index
      %swap3A_137 = arith.constant 0 : index
      %swap3A_138 = vector.load %arg16[%swap3A_136, %swap3A_137] : memref<1x1xf32, #tpu.memory_space<vmem>>, vector<1x1xf32>
      tpu.vector_store %arg16[%swap3A_136, %swap3A_137], %broadcast_in_dim3A_135 {strides = array<i32>} : memref<1x1xf32, #tpu.memory_space<vmem>>, vector<1x1xf32>,
      %broadcast_in_dim3A_139 = vector.broadcast %mul3A_114 : f32 to vector<1x1xf32>
      %swap3A_140 = arith.constant 0 : index
      %swap3A_141 = arith.constant 0 : index
      %swap3A_142 = vector.load %arg17[%swap3A_140, %swap3A_141] : memref<1x1xf32, #tpu.memory_space<vmem>>, vector<1x1xf32>
      tpu.vector_store %arg17[%swap3A_140, %swap3A_141], %broadcast_in_dim3A_139 {strides = array<i32>} : memref<1x1xf32, #tpu.memory_space<vmem>>, vector<1x1xf32>,
      %add3A_143 = arith.addf %mul3A_114, %add3A_110 : f32
      %broadcast_in_dim3A_144 = vector.broadcast %add3A_143 : f32 to vector<1x1xf32>
      %swap3A_145 = arith.constant 0 : index
      %swap3A_146 = arith.constant 0 : index
      %swap3A_147 = vector.load %arg18[%swap3A_145, %swap3A_146] : memref<1x1xf32, #tpu.memory_space<vmem>>, vector<1x1xf32>
      tpu.vector_store %arg18[%swap3A_145, %swap3A_146], %broadcast_in_dim3A_144 {strides = array<i32>} : memref<1x1xf32, #tpu.memory_space<vmem>>, vector<1x1xf32>,
    } else {
    }
    return
  }
  func.func @transform_0(%arg0: i32) -> (i32, i32) {
    %c0_i32 = arith.constant 0 : i32
    %c0_i32_0 = arith.constant 0 : i32
    return %arg0, %c0_i32 : i32, i32
  }
  func.func @transform_1(%arg0: i32) -> (i32, i32) {
    %c0_i32 = arith.constant 0 : i32
    %c0_i32_0 = arith.constant 0 : i32
    return %arg0, %c0_i32 : i32, i32
  }
  func.func @transform_2(%arg0: i32) -> (i32, i32) {
    %c0_i32 = arith.constant 0 : i32
    %c0_i32_0 = arith.constant 0 : i32
    return %arg0, %c0_i32 : i32, i32
  }
  func.func @transform_3(%arg0: i32) -> (i32, i32) {
    %c0_i32 = arith.constant 0 : i32
    %c0_i32_0 = arith.constant 0 : i32
    return %arg0, %c0_i32 : i32, i32
  }
  func.func @transform_4(%arg0: i32) -> (i32, i32) {
    %c0_i32 = arith.constant 0 : i32
    %c0_i32_0 = arith.constant 0 : i32
    %c0_i32_1 = arith.constant 0 : i32
    return %c0_i32, %c0_i32_0 : i32, i32
  }
  func.func @transform_5(%arg0: i32) -> (i32, i32) {
    %c0_i32 = arith.constant 0 : i32
    %c0_i32_0 = arith.constant 0 : i32
    %c0_i32_1 = arith.constant 0 : i32
    return %c0_i32, %c0_i32_0 : i32, i32
  }
  func.func @transform_6(%arg0: i32) -> (i32, i32) {
    %c0_i32 = arith.constant 0 : i32
    %c0_i32_0 = arith.constant 0 : i32
    %c0_i32_1 = arith.constant 0 : i32
    return %c0_i32, %c0_i32_0 : i32, i32
  }
  func.func @transform_7(%arg0: i32) -> (i32, i32) {
    %c0_i32 = arith.constant 0 : i32
    %c0_i32_0 = arith.constant 0 : i32
    %c0_i32_1 = arith.constant 0 : i32
    return %c0_i32, %c0_i32_0 : i32, i32
  }
  func.func @transform_8(%arg0: i32) -> (i32, i32) {
    %c0_i32 = arith.constant 0 : i32
    %c0_i32_0 = arith.constant 0 : i32
    %c0_i32_1 = arith.constant 0 : i32
    return %c0_i32, %c0_i32_0 : i32, i32
  }
  func.func @transform_9(%arg0: i32) -> (i32, i32) {
    %c0_i32 = arith.constant 0 : i32
    %c0_i32_0 = arith.constant 0 : i32
    %c0_i32_1 = arith.constant 0 : i32
    return %c0_i32, %c0_i32_0 : i32, i32
  }
  func.func @transform_10(%arg0: i32) -> (i32, i32) {
    %c0_i32 = arith.constant 0 : i32
    %c0_i32_0 = arith.constant 0 : i32
    %c0_i32_1 = arith.constant 0 : i32
    return %c0_i32, %c0_i32_0 : i32, i32
  }
  func.func @transform_11(%arg0: i32) -> (i32, i32) {
    %c0_i32 = arith.constant 0 : i32
    %c0_i32_0 = arith.constant 0 : i32
    %c0_i32_1 = arith.constant 0 : i32
    return %c0_i32, %c0_i32_0 : i32, i32
  }
  func.func @transform_12(%arg0: i32) -> (i32, i32) {
    %c0_i32 = arith.constant 0 : i32
    %c0_i32_0 = arith.constant 0 : i32
    return %arg0, %c0_i32 : i32, i32
  }
  func.func @transform_13(%arg0: i32) -> (i32, i32) {
    %c0_i32 = arith.constant 0 : i32
    %c0_i32_0 = arith.constant 0 : i32
    return %arg0, %c0_i32 : i32, i32
  }
  func.func @transform_14(%arg0: i32) -> (i32, i32) {
    %c0_i32 = arith.constant 0 : i32
    %c0_i32_0 = arith.constant 0 : i32
    %c0_i32_1 = arith.constant 0 : i32
    return %c0_i32, %c0_i32_0 : i32, i32
  }
  func.func @transform_15(%arg0: i32) -> (i32, i32) {
    %c0_i32 = arith.constant 0 : i32
    %c0_i32_0 = arith.constant 0 : i32
    %c0_i32_1 = arith.constant 0 : i32
    return %c0_i32, %c0_i32_0 : i32, i32
  }
  func.func @transform_16(%arg0: i32) -> (i32, i32) {
    %c0_i32 = arith.constant 0 : i32
    %c0_i32_0 = arith.constant 0 : i32
    %c0_i32_1 = arith.constant 0 : i32
    return %c0_i32, %c0_i32_0 : i32, i32
  }
  func.func @transform_17(%arg0: i32) -> (i32, i32) {
    %c0_i32 = arith.constant 0 : i32
    %c0_i32_0 = arith.constant 0 : i32
    %c0_i32_1 = arith.constant 0 : i32
    return %c0_i32, %c0_i32_0 : i32, i32
  }
}

</mosaic_0001>

<sc_bundles>
// kernel: kernel.6.cloned.1.call-start
scs
__scs_entry_jumppad:
0x0: {  	(pc) =	sbr.rel $0x88, $3  }
0x1: {  	(tag) =	ssettag $0x0;
	lr =	simm.s32 $0x1  }
0x2: {  	[smem:$0x3F8D] =	sst lr;
	_ =	strace $0xD0000000  }
0x3: {  	_ = 	snop  }
0x4: {  	_ = 	snop  }
0x5: {  	_ = 	snop  }
0x6: {  	_ = 	snop  }
0x7: {  	_ = 	snop  }
__scs_overlays_trampoline_lowered:
0x8: {  	[smem:$0x3F9C] =	sst s0  }
0x9: {  	[smem:$0x3F9D] =	sst s1  }
0xa: {  	[smem:$0x3F9E] =	sst s2  }
0xb: {  	[smem:$0x3F9F] =	sst s3  }
0xc: {  	[smem:$0x3FA0] =	sst s4  }
0xd: {  	[smem:$0x3FA1] =	sst s5  }
0xe: {  	[smem:$0x3FA2] =	sst s6  }
0xf: {  	[smem:$0x3FA3] =	sst s7  }
0x10: {  	[smem:$0x3FA4] =	sst s8  }
0x11: {  	[smem:$0x3FA5] =	sst s9;
	s0 =	simm.s32 @!p0 $0x0  }
0x12: {  	s1 =	sld [smem:$0x3F8B];
	s0 =	simm.s32 @p0 $0x1  }
0x13: {  	[smem:$0x3FA6] =	sst s0;
	s0 =	simm.s32 @!p1 $0x0  }
0x14: {  	s2 =	sld [smem:$0x3F8A];
	s0 =	simm.s32 @p1 $0x1  }
0x15: {  	[smem:$0x3FA7] =	sst s0;
	s0 =	simm.s32 @!p2 $0x0  }
0x16: {  	s3 =	sld [smem:$0x3FDB];
	s0 =	simm.s32 @p2 $0x1  }
0x17: {  	s4 =	simm.s32 $0x1BF5;
	[smem:$0x3FA9] =	sst s0  }
0x18: {  	s0 =	sld [smem:$0x3F8C];
	_ =	swait.ge [sflag:s4], $0x0  }
0x19: {  	s7 =	sld [smem:$0x3F8D]  }
0x1a: {  	s8 =	sadd.s32 $0xFFFFE003, lr  }
0x1b: {  	s9 =	sadd.s32 $0xFFFFFEF7, lr;
	s5 =	simm.s32 $0xFFFFFFFF;
	p2 =	slt.u32 s8, $0xFFFFF086  }
0x1c: {  	p1 =	slt.u32 s9, $0xF7A;
	s5 =	simm.s32 @!p2 $0x0  }
0x1d: {  	s5 =	simm.s32 @p1 $0x1;
	p0 =	seq.s32 s7, s2  }
0x1e: {  	s7 =	smul.u32 @!p0 $0xF7A, s2;
	p2 =	seq.s32 @!p0 s5, $0x0  }
0x1f: {  	s9 =	smul.u32 $0xF7A, s1;
	s8 =	simm.s32 @!p0 $0x1BF5;
	p2 =	por !p2, p0  }
0x20: {  	[sflag:s8] =	ssyncset.s32 @!p0 $0xFFFFF086;
	s6 =	sadd.s32 @!p0 s3, s7;
	s7 =	simm.s32 @!p0 $0x108  }
0x21: {  	s3 =	sadd.s32 s3, s9;
	s6 =	sadd.s32 @!p0 $0x88, s6;
	s7 =	simm.s32 @p2 $0x1082  }
0x22: {  	[simem:s7], [sflag:s8] =	dma.local @!p0 [hbm:s6], $0xF7A  }
0x23: {  	s9 =	sor.u32 $0xD0000000, s2;
	s6 =	simm.s32 $0x108;
	_ =	swait.ge @!p0 [sflag:s8], $0x0  }
0x24: {  	s3 =	sadd.s32 $0x88, s3;
	s6 =	simm.s32 @!p1 $0x1082;
	[sflag:s4] =	ssyncset.s32 $0xFFFFF086  }
0x25: {  	[simem:s6], [sflag:s4] =	dma.local [hbm:s3], $0xF7A  }
0x26: {  	[smem:$0x3F8D] =	sst s1;
	(tag) =	ssettag s2;
	_ =	strace s9  }
0x27: {  	s1 =	sld [smem:$0x3F9D]  }
0x28: {  	s2 =	sld [smem:$0x3F9E]  }
0x29: {  	s4 =	sld [smem:$0x3FA0]  }
0x2a: {  	p0 =	seq.s32 s5, $0x0;
	s5 =	sld [smem:$0x3FA1]  }
0x2b: {  	s6 =	sld [smem:$0x3FA2]  }
0x2c: {  	s7 =	sld [smem:$0x3FA3]  }
0x2d: {  	s3 =	simm.s32 $0x108;
	s8 =	sld [smem:$0x3FA4]  }
0x2e: {  	s3 =	simm.s32 @!p0 $0x1082;
	s9 =	sld [smem:$0x3FA5]  }
0x2f: {  	lr =	sadd.s32 s0, s3;
	s0 =	sld [smem:$0x3F9C]  }
0x30: {  	s3 =	sld [smem:$0x3F9F]  }
0x31: {  	[smem:$0x3FA8] =	sst s10  }
0x32: {  	s10 =	sld [smem:$0x3FA6];
	_ =	sdelay $0x3  }
0x33: {  	p0 =	seq.s32 s10, $0x1;
	s10 =	sld [smem:$0x3FA8];
	_ =	sdelay $0x3  }
0x34: {  	[smem:$0x3FA8] =	sst s10  }
0x35: {  	s10 =	sld [smem:$0x3FA7];
	_ =	sdelay $0x3  }
0x36: {  	p1 =	seq.s32 s10, $0x1;
	s10 =	sld [smem:$0x3FA8];
	_ =	sdelay $0x3  }
0x37: {  	[smem:$0x3FA8] =	sst s10  }
0x38: {  	s10 =	sld [smem:$0x3FA9]  }
0x39: {  	_ = 	snop;
	(pc) =	sbr.ind lr, $3  }
0x3a: {  	_ = 	snop  }
0x3b: {  	_ = 	snop  }
0x3c: {  	p2 =	seq.s32 s10, $0x1;
	s10 =	sld [smem:$0x3FA8]  }
0x3d: {  	_ =	shalt  }
0x3e: {  	_ =	shalt  }
0x3f: {  	_ =	shalt  }
0x40: {  	_ =	shalt  }
0x41: {  	_ =	shalt  }
0x42: {  	_ =	shalt  }
0x43: {  	_ =	shalt  }
0x44: {  	_ =	shalt  }
0x45: {  	_ =	shalt  }
0x46: {  	_ =	shalt  }
0x47: {  	_ =	shalt  }
0x48: {  	_ =	shalt  }
0x49: {  	_ =	shalt  }
0x4a: {  	_ =	shalt  }
0x4b: {  	_ =	shalt  }
0x4c: {  	_ =	shalt  }
0x4d: {  	_ =	shalt  }
0x4e: {  	_ =	shalt  }
0x4f: {  	_ =	shalt  }
0x50: {  	_ =	shalt  }
0x51: {  	_ =	shalt  }
0x52: {  	_ =	shalt  }
0x53: {  	_ =	shalt  }
0x54: {  	_ =	shalt  }
0x55: {  	_ =	shalt  }
0x56: {  	_ =	shalt  }
0x57: {  	_ =	shalt  }
0x58: {  	_ =	shalt  }
0x59: {  	_ =	shalt  }
0x5a: {  	_ =	shalt  }
0x5b: {  	_ =	shalt  }
0x5c: {  	_ =	shalt  }
0x5d: {  	_ =	shalt  }
0x5e: {  	_ =	shalt  }
0x5f: {  	_ =	shalt  }
0x60: {  	_ =	shalt  }
0x61: {  	_ =	shalt  }
0x62: {  	_ =	shalt  }
0x63: {  	_ =	shalt  }
0x64: {  	_ =	shalt  }
0x65: {  	_ =	shalt  }
0x66: {  	_ =	shalt  }
0x67: {  	_ =	shalt  }
0x68: {  	_ =	shalt  }
0x69: {  	_ =	shalt  }
0x6a: {  	_ =	shalt  }
0x6b: {  	_ =	shalt  }
0x6c: {  	_ =	shalt  }
0x6d: {  	_ =	shalt  }
0x6e: {  	_ =	shalt  }
0x6f: {  	_ =	shalt  }
0x70: {  	_ =	shalt  }
0x71: {  	_ =	shalt  }
0x72: {  	_ =	shalt  }
0x73: {  	_ =	shalt  }
0x74: {  	_ =	shalt  }
0x75: {  	_ =	shalt  }
0x76: {  	_ =	shalt  }
0x77: {  	_ =	shalt  }
0x78: {  	_ =	shalt  }
0x79: {  	_ =	shalt  }
0x7a: {  	_ =	shalt  }
0x7b: {  	_ =	shalt  }
0x7c: {  	_ =	shalt  }
0x7d: {  	_ =	shalt  }
0x7e: {  	_ =	shalt  }
0x7f: {  	_ =	shalt  }
0x80: {  	_ =	shalt  }
0x81: {  	_ =	shalt  }
0x82: {  	_ =	shalt  }
0x83: {  	_ =	shalt  }
0x84: {  	_ =	shalt  }
0x85: {  	_ =	shalt  }
0x86: {  	_ =	shalt  }
0x87: {  	_ =	shalt  }
.Lfunc_end0:
.L_simem_size_0:
called_computation_lowered:
.L_overlay_start_0:
0x88: {  	s2 =	sld [smem:$0x3FD9]  }
0x89: {  	s3 =	sld [smem:$0x3FFE];
	_ =	sdelay $0x1  }
0x8a: {  	s1 =	srdreg.scid  }
0x8b: {  	s0 =	sand.u32 $0x1, s1  }
0x8c: {  	s14 =	sshll.u32 s0, $0xA;
	s2 =	sadd.s32 s3, s2  }
0x8d: {  	s2 =	sadd.s32 s2, s14  }
0x8e: {  	[smem:$0x3FB4] =	sst s2  }
0x8f: {  	_ = 	snop  }
0x90: {  	s2 =	sld [smem:$0x3FD0];
	_ =	sdelay $0x2  }
0x91: {  	s15 =	simm.s32 $0xA;
	s4 =	simm.s32 $0x10  }
0x92: {  	[smem:s4], [sflag:s15] =	dma.local [hbm:s2], $0x1  }
0x93: {  	_ =	swait.eq [sflag:s15], $0x1  }
0x94: {  	[sflag:s15] =	ssyncset.done $0x0  }
0x95: {  	[sflag:s15] =	ssyncadd.s32 $0xFFFFFFFF  }
0x96: {  	s16 =	sld [smem:$0x14];
	(tm) =	ssettm $0x1  }
0x97: {  	s17 =	sld [smem:$0x3FFB];
	_ =	sdelay $0x3  }
0x98: {  	_ =	strace s17  }
0x99: {  	s3 =	sld [smem:$0x3FFC];
	_ =	sdelay $0x3  }
0x9a: {  	_ =	strace s3  }
0x9b: {  	s3 =	sld [smem:$0x3FFD];
	_ =	sdelay $0x3  }
0x9c: {  	_ =	strace s3  }
0x9d: {  	_ =	strace $0x8FFFFFFF  }
0x9e: {  	s18 =	sld [smem:$0x3FDB];
	_ =	sdelay $0x1  }
0x9f: {  	s19 =	simm.s32 $_scs_section_size  }
0xa0: {  	s5 =	simm.s32 $_size__tile_overlayer_lowered;
	s6 =	simm.s32 $_tile_overlayer_lowered  }
0xa1: {  	s22 =	simm.s32 $0x1BFF;
	s21 =	sshll.u32 s6, $0x1;
	s3 =	sadd.s32 s19, s18  }
0xa2: {  	s7 =	simm.s32 $0x0;
	s20 =	sshll.u32 s5, $0x1;
	s5 =	sadd.s32 s21, s3  }
0xa3: {  	[timem:s7], [sflag:s22] =	dma.local [hbm:s5], s20  }
0xa4: {  	_ =	swait.ge [sflag:s22], s20  }
0xa5: {  	s4 =	ssub.s32 $0x0, s20;
	[sflag:s22] =	ssyncset.done $0x0  }
0xa6: {  	[sflag:s22] =	ssyncadd.s32 s4;
	_ =	sdelay $0x1  }
0xa7: {  	s23 =	simm.s32 $0x1B8B  }
0xa8: {  	_ =	swait.ge [sflag:s23], $0x1  }
0xa9: {  	[sflag:s23] =	ssyncset.done $0x0  }
0xaa: {  	s25 =	simm.s32 $0x1B8E;
	s24 =	sld [smem:$0x3FFE];
	[sflag:s23] =	ssyncadd.s32 $0xFFFFFFFF  }
0xab: {  	s26 =	simm.s32 $execute0_lowered;
	[smem:$0x3FD2] =	sst s25  }
0xac: {  	s5 =	sshll.u32 s26, $0x1;
	_ =	strace $0x80000046;
	[dreg:$0x1] =	wrdreg $0xFFFFFFFF  }
0xad: {  	s28 =	simm.s32 $_size_execute0_lowered;
	s3 =	sadd.s32 s3, s5;
	[dreg:$0x0] =	wrdreg $0x0  }
0xae: {  	s5 =	sshll.u32 s28, $0x1;
	[dreg:$0x2] =	wrdreg s3  }
0xaf: {  	[dreg:$0x3] =	wrdreg s5  }
0xb0: {  	[dreg:$0x4] =	wrdreg $0xC0  }
0xb1: {  	_ =	task [dreg:s7], $0x5FFFF  }
0xb2: {  	[dreg:$0x1] =	wrdreg $0xFFFFFFFF  }
0xb3: {  	[dreg:$0x0] =	wrdreg $0x60  }
0xb4: {  	[dreg:$0x2] =	wrdreg s24  }
0xb5: {  	[dreg:$0x3] =	wrdreg s16  }
0xb6: {  	[dreg:$0x4] =	wrdreg $0x9  }
0xb7: {  	_ =	task.clear_ibuf [dreg:s7], $0x5FFFF;
	_ =	strace $0x90000046  }
0xb8: {  	s29 =	simm.s32 $0x9;
	_ =	strace $0x80000048  }
0xb9: {  	_ =	swait.ge [sflag:s29], $0x1  }
0xba: {  	[sflag:s29] =	ssyncadd.s32 $0xFFFFFFFF  }
0xbb: {  	_ =	strace $0x90000048  }
0xbc: {  	_ =	sfence  }
0xbd: {  	s30 =	sld [smem:$0x0];
	_ =	sdelay $0x2  }
0xbe: {  	s31 =	sshll.u32 s1, $0xD;
	s1 =	sshrl.u32 s1, $0x2  }
0xbf: {  	s3 =	sand.u32 $0x4000, s31;
	s1 =	sadd.s32 s1, s30  }
0xc0: {  	s0 =	sor.u32 s3, s0;
	s1 =	sshll.u32 s1, $0x11  }
0xc1: {  	s0 =	sor.u32 s1, s0  }
0xc2: {  	s0 =	sadd.s32 $0x8F2B, s0  }
0xc3: {  	[sflag:s0] =	ssyncadd.remote.s32 $0x1  }
0xc4: {  	_ =	sfence.sel $0xFFFF  }
0xc5: {  	[dreg:$0x0] =	wrdreg $0xFFFFFFFF;
	(pc) =	sbr.abs _section_cstart, $3  }
0xc6: {  	[dreg:$0x1] =	wrdreg $0xFFFFFFFF  }
0xc7: {  	_ =	task.clear_ibuf [dreg:s7], $0x2FFFF;
	_ =	strace $0x9FFFFFFF  }
0xc8: {  	(tm) =	ssettm $0x7FFFFFFF  }
0xc9: {  	_ =	shalt  }
tec
execute0_lowered:
.L_overlay_start_1:
0x0: {  	(tag) =	ssettag $0x1  }
0x1: {  	s4 =	rddreg [dreg:$0x0]  }
0x2: {  	s2 =	rddreg [dreg:$0x1]  }
0x3: {  	s0 =	rddreg [dreg:$0x2];
	s5 =	srdreg.scid  }
0x4: {  	s3 =	simm.s32 $0x0;
	s1 =	stileid.u32;
	s10 =	simm.s32 $0x0  }
0x5: {  	s5 =	sand.u32 $0x1, s5;
	[smem:$0x7FF] =	sst s3;
	s6 =	sshll.u32 s1, $0xE  }
0x6: {  	s8 =	sshll.u32 s1, $0x11;
	s7 =	sshll.u32 s5, $0xD;
	_ =	strace $0x80000047  }
0x7: {  	s31 =	ssub.s32 $0x2, s5;
	s8 =	sadd.s32 s8, s4;
	s5 =	sshll.u32 s5, $0x10  }
0x8: {  	s6 =	sor.u32 s7, s6;
	s9 =	sshrl.u32 s31, $0x1;
	s5 =	sadd.s32 s5, s8  }
0x9: {  	s8 =	simm.s32 $0x80;
	s6 =	sshrl.u32 s6, $0x3;
	s7 =	ssub.s32 s31, s9  }
0xa: {  	s5 =	sadd.s32 $0xBA00, s5;
	s9 =	simm.s32 $0x1;
	s6 =	sadd.s32 s6, s4  }
0xb: {  	s4 =	smax.u32 s7, $0x1;
	s7 =	simm.s32 $0x2;
	s6 =	sadd.s32 $0x3A00, s6  }
.LBB2_1:
0xc: {  	s11 =	sadd.s32 $0x0, s6  }
0xd: {  	[tilespmem:s3], [sflag:$0x2] =	stream.linear.gather [hbm4b:s11+s3], $0x80, $0x38;
	[tilespmem:$0x2080] =	vst v63  }
0xe: {  	_ =	swait.ge [sflag:s7], $0x80  }
0xf: {  	[sflag:s7] =	ssyncset.done $0x0  }
0x10: {  	[sflag:s7] =	ssyncadd.s32 $0xFFFFFF80  }
0x11: {  	[tilespmem:s8], [sflag:$0x1] =	stream.indirect.gather [hbm4b:s2+s8], $0x40, s3, s8, $0xb8;
	[tilespmem:$0x2080] =	vst v63  }
0x12: {  	_ =	swait.ge [sflag:s9], $0x2000  }
0x13: {  	[sflag:s9] =	ssyncset.done $0x0  }
0x14: {  	[sflag:s9] =	ssyncadd.s32 $0xFFFFE000  }
0x15: {  	[hbm4b:s5+s3] =	stream.linear.scatter [tilespmem:s8], [sflag:$0x2], $0x2000, $0x38;
	[tilespmem:$0x2080] =	vst v63  }
0x16: {  	s12 =	simm.s32 $0x10;
	_ =	swait.ge [sflag:s7], $0x2000  }
0x17: {  	s13 =	simm.s32 $0x20;
	s11 =	sadd.s32 $0x400, s5;
	[sflag:s7] =	ssyncset.done $0x0  }
.LBB2_2:
0x18: {  	s14 =	sadd.s32 s12, s6  }
0x19: {  	[sflag:s7] =	ssyncadd.s32 $0xFFFFE000;
	s12 =	smov.u32 s13;
	s15 =	sadd.s32 $0x10, s13  }
0x1a: {  	[tilespmem:s3], [sflag:$0x2] =	stream.linear.gather [hbm4b:s14+s3], $0x80, $0x38;
	[tilespmem:$0x2080] =	vst v63  }
0x1b: {  	p0 =	sne.s32 s13, $0x3F0;
	_ =	swait.ge [sflag:s7], $0x80  }
0x1c: {  	[sflag:s7] =	ssyncset.done $0x0  }
0x1d: {  	[sflag:s7] =	ssyncadd.s32 $0xFFFFFF80  }
0x1e: {  	[tilespmem:s8], [sflag:$0x1] =	stream.indirect.gather [hbm4b:s2+s8], $0x40, s3, s8, $0xb8;
	[tilespmem:$0x2080] =	vst v63  }
0x1f: {  	_ =	swait.ge [sflag:s9], $0x2000  }
.Ltmp0:
0x20: {  	[sflag:s9] =	ssyncset.done $0x0;
	(pc) =	sbr.rel @p0 .LBB2_2-.Ltmp0, $4  }
0x21: {  	[sflag:s9] =	ssyncadd.s32 $0xFFFFE000  }
0x22: {  	[hbm4b:s11+s3] =	stream.linear.scatter [tilespmem:s8], [sflag:$0x2], $0x2000, $0x38;
	[tilespmem:$0x2080] =	vst v63  }
0x23: {  	_ =	swait.ge [sflag:s7], $0x2000  }
0x24: {  	s13 =	smov.u32 s15;
	s11 =	sadd.s32 $0x400, s11;
	[sflag:s7] =	ssyncset.done $0x0  }
0x25: {  	s12 =	sadd.s32 s12, s6;
	[sflag:s7] =	ssyncadd.s32 $0xFFFFE000  }
0x26: {  	[tilespmem:s3], [sflag:$0x2] =	stream.linear.gather [hbm4b:s12+s3], $0x80, $0x38;
	[tilespmem:$0x2080] =	vst v63  }
0x27: {  	_ =	swait.ge [sflag:s7], $0x80  }
0x28: {  	[sflag:s7] =	ssyncset.done $0x0  }
0x29: {  	[sflag:s7] =	ssyncadd.s32 $0xFFFFFF80  }
0x2a: {  	[tilespmem:s8], [sflag:$0x1] =	stream.indirect.gather [hbm4b:s2+s8], $0x40, s3, s8, $0xb8;
	[tilespmem:$0x2080] =	vst v63  }
0x2b: {  	s10 =	sadd.s32 $0x1, s10;
	_ =	swait.ge [sflag:s9], $0x2000  }
0x2c: {  	p0 =	sne.s32 s10, s4;
	[sflag:s9] =	ssyncset.done $0x0  }
.Ltmp1:
0x2d: {  	[sflag:s9] =	ssyncadd.s32 $0xFFFFE000;
	(pc) =	sbr.rel @p0 .LBB2_1-.Ltmp1, $4  }
0x2e: {  	[hbm4b:s11+s3] =	stream.linear.scatter [tilespmem:s8], [sflag:$0x2], $0x2000, $0x38;
	[tilespmem:$0x2080] =	vst v63  }
0x2f: {  	_ =	swait.ge [sflag:s7], $0x2000  }
0x30: {  	[sflag:s7] =	ssyncset.done $0x0  }
0x31: {  	[sflag:s7] =	ssyncadd.s32 $0xFFFFE000  }
0x32: {  	_ =	sfence.sel $0x180000  }
0x33: {  	[bflag:$0x0] =	sbarrier.arrive $0xFFFF  }
0x34: {  	p0 =	sne.s32 s1, $0x0;
	_ =	strace $0x90000047  }
0x35: {  	s0 =	sadd.s32 @!p0 $0x100000, s0;
	[bflag:$0x2] =	sbarrier.arrive $0xFFFF  }
0x36: {  	[sflag:s0] =	ssyncadd.tile.s32 @!p0 $0x1;
	_ =	shalt  }
.Lfunc_end2:
_tile_overlayer_lowered:
.L_overlay_start_2:
0x37: {  	(tag) =	ssettag $0x2  }
0x38: {  	s0 =	rddreg [dreg:$0x0];
	s2 =	stileid.u32  }
0x39: {  	s1 =	rddreg [dreg:$0x1];
	p0 =	sne.s32 s2, $0x0  }
0x3a: {  	s3 =	rddreg [dreg:$0x2];
	[bflag:$0x3] =	sbarrier.arrive $0xFFFF;
	s2 =	simm.s32 @!p0 $0x1C02  }
0x3b: {  	[timem:s3], [sflag:s2] =	dma.local @!p0 [hbm:s0], s1  }
0x3c: {  	s0 =	simm.s32 @!p0 $0x2  }
0x3d: {  	_ =	swait.ge @!p0 [sflag:s0], s1  }
0x3e: {  	s1 =	ssub.s32 @!p0 $0x0, s1;
	[sflag:s0] =	ssyncset.done @!p0 $0x0  }
0x3f: {  	[sflag:s0] =	ssyncadd.s32 @!p0 s1  }
0x40: {  	[bflag:$0x3] =	sbarrier.arrive $0xFFFF  }
0x41: {  	_ =	shalt  }

// kernel: kernel.9.cloned.1.call-start
scs
__scs_entry_jumppad:
0x0: {  	(pc) =	sbr.rel $0x88, $3  }
0x1: {  	(tag) =	ssettag $0x0;
	lr =	simm.s32 $0x1  }
0x2: {  	[smem:$0x3F8D] =	sst lr;
	_ =	strace $0xD0000000  }
0x3: {  	_ = 	snop  }
0x4: {  	_ = 	snop  }
0x5: {  	_ = 	snop  }
0x6: {  	_ = 	snop  }
0x7: {  	_ = 	snop  }
__scs_overlays_trampoline_lowered:
0x8: {  	[smem:$0x3F9C] =	sst s0  }
0x9: {  	[smem:$0x3F9D] =	sst s1  }
0xa: {  	[smem:$0x3F9E] =	sst s2  }
0xb: {  	[smem:$0x3F9F] =	sst s3  }
0xc: {  	[smem:$0x3FA0] =	sst s4  }
0xd: {  	[smem:$0x3FA1] =	sst s5  }
0xe: {  	[smem:$0x3FA2] =	sst s6  }
0xf: {  	[smem:$0x3FA3] =	sst s7  }
0x10: {  	[smem:$0x3FA4] =	sst s8  }
0x11: {  	[smem:$0x3FA5] =	sst s9;
	s0 =	simm.s32 @!p0 $0x0  }
0x12: {  	s1 =	sld [smem:$0x3F8B];
	s0 =	simm.s32 @p0 $0x1  }
0x13: {  	[smem:$0x3FA6] =	sst s0;
	s0 =	simm.s32 @!p1 $0x0  }
0x14: {  	s2 =	sld [smem:$0x3F8A];
	s0 =	simm.s32 @p1 $0x1  }
0x15: {  	[smem:$0x3FA7] =	sst s0;
	s0 =	simm.s32 @!p2 $0x0  }
0x16: {  	s3 =	sld [smem:$0x3FDB];
	s0 =	simm.s32 @p2 $0x1  }
0x17: {  	s4 =	simm.s32 $0x1BF5;
	[smem:$0x3FA9] =	sst s0  }
0x18: {  	s0 =	sld [smem:$0x3F8C];
	_ =	swait.ge [sflag:s4], $0x0  }
0x19: {  	s7 =	sld [smem:$0x3F8D]  }
0x1a: {  	s8 =	sadd.s32 $0xFFFFE003, lr  }
0x1b: {  	s9 =	sadd.s32 $0xFFFFFEF7, lr;
	s5 =	simm.s32 $0xFFFFFFFF;
	p2 =	slt.u32 s8, $0xFFFFF086  }
0x1c: {  	p1 =	slt.u32 s9, $0xF7A;
	s5 =	simm.s32 @!p2 $0x0  }
0x1d: {  	s5 =	simm.s32 @p1 $0x1;
	p0 =	seq.s32 s7, s2  }
0x1e: {  	s7 =	smul.u32 @!p0 $0xF7A, s2;
	p2 =	seq.s32 @!p0 s5, $0x0  }
0x1f: {  	s9 =	smul.u32 $0xF7A, s1;
	s8 =	simm.s32 @!p0 $0x1BF5;
	p2 =	por !p2, p0  }
0x20: {  	[sflag:s8] =	ssyncset.s32 @!p0 $0xFFFFF086;
	s6 =	sadd.s32 @!p0 s3, s7;
	s7 =	simm.s32 @!p0 $0x108  }
0x21: {  	s3 =	sadd.s32 s3, s9;
	s6 =	sadd.s32 @!p0 $0x88, s6;
	s7 =	simm.s32 @p2 $0x1082  }
0x22: {  	[simem:s7], [sflag:s8] =	dma.local @!p0 [hbm:s6], $0xF7A  }
0x23: {  	s9 =	sor.u32 $0xD0000000, s2;
	s6 =	simm.s32 $0x108;
	_ =	swait.ge @!p0 [sflag:s8], $0x0  }
0x24: {  	s3 =	sadd.s32 $0x88, s3;
	s6 =	simm.s32 @!p1 $0x1082;
	[sflag:s4] =	ssyncset.s32 $0xFFFFF086  }
0x25: {  	[simem:s6], [sflag:s4] =	dma.local [hbm:s3], $0xF7A  }
0x26: {  	[smem:$0x3F8D] =	sst s1;
	(tag) =	ssettag s2;
	_ =	strace s9  }
0x27: {  	s1 =	sld [smem:$0x3F9D]  }
0x28: {  	s2 =	sld [smem:$0x3F9E]  }
0x29: {  	s4 =	sld [smem:$0x3FA0]  }
0x2a: {  	p0 =	seq.s32 s5, $0x0;
	s5 =	sld [smem:$0x3FA1]  }
0x2b: {  	s6 =	sld [smem:$0x3FA2]  }
0x2c: {  	s7 =	sld [smem:$0x3FA3]  }
0x2d: {  	s3 =	simm.s32 $0x108;
	s8 =	sld [smem:$0x3FA4]  }
0x2e: {  	s3 =	simm.s32 @!p0 $0x1082;
	s9 =	sld [smem:$0x3FA5]  }
0x2f: {  	lr =	sadd.s32 s0, s3;
	s0 =	sld [smem:$0x3F9C]  }
0x30: {  	s3 =	sld [smem:$0x3F9F]  }
0x31: {  	[smem:$0x3FA8] =	sst s10  }
0x32: {  	s10 =	sld [smem:$0x3FA6];
	_ =	sdelay $0x3  }
0x33: {  	p0 =	seq.s32 s10, $0x1;
	s10 =	sld [smem:$0x3FA8];
	_ =	sdelay $0x3  }
0x34: {  	[smem:$0x3FA8] =	sst s10  }
0x35: {  	s10 =	sld [smem:$0x3FA7];
	_ =	sdelay $0x3  }
0x36: {  	p1 =	seq.s32 s10, $0x1;
	s10 =	sld [smem:$0x3FA8];
	_ =	sdelay $0x3  }
0x37: {  	[smem:$0x3FA8] =	sst s10  }
0x38: {  	s10 =	sld [smem:$0x3FA9]  }
0x39: {  	_ = 	snop;
	(pc) =	sbr.ind lr, $3  }
0x3a: {  	_ = 	snop  }
0x3b: {  	_ = 	snop  }
0x3c: {  	p2 =	seq.s32 s10, $0x1;
	s10 =	sld [smem:$0x3FA8]  }
0x3d: {  	_ =	shalt  }
0x3e: {  	_ =	shalt  }
0x3f: {  	_ =	shalt  }
0x40: {  	_ =	shalt  }
0x41: {  	_ =	shalt  }
0x42: {  	_ =	shalt  }
0x43: {  	_ =	shalt  }
0x44: {  	_ =	shalt  }
0x45: {  	_ =	shalt  }
0x46: {  	_ =	shalt  }
0x47: {  	_ =	shalt  }
0x48: {  	_ =	shalt  }
0x49: {  	_ =	shalt  }
0x4a: {  	_ =	shalt  }
0x4b: {  	_ =	shalt  }
0x4c: {  	_ =	shalt  }
0x4d: {  	_ =	shalt  }
0x4e: {  	_ =	shalt  }
0x4f: {  	_ =	shalt  }
0x50: {  	_ =	shalt  }
0x51: {  	_ =	shalt  }
0x52: {  	_ =	shalt  }
0x53: {  	_ =	shalt  }
0x54: {  	_ =	shalt  }
0x55: {  	_ =	shalt  }
0x56: {  	_ =	shalt  }
0x57: {  	_ =	shalt  }
0x58: {  	_ =	shalt  }
0x59: {  	_ =	shalt  }
0x5a: {  	_ =	shalt  }
0x5b: {  	_ =	shalt  }
0x5c: {  	_ =	shalt  }
0x5d: {  	_ =	shalt  }
0x5e: {  	_ =	shalt  }
0x5f: {  	_ =	shalt  }
0x60: {  	_ =	shalt  }
0x61: {  	_ =	shalt  }
0x62: {  	_ =	shalt  }
0x63: {  	_ =	shalt  }
0x64: {  	_ =	shalt  }
0x65: {  	_ =	shalt  }
0x66: {  	_ =	shalt  }
0x67: {  	_ =	shalt  }
0x68: {  	_ =	shalt  }
0x69: {  	_ =	shalt  }
0x6a: {  	_ =	shalt  }
0x6b: {  	_ =	shalt  }
0x6c: {  	_ =	shalt  }
0x6d: {  	_ =	shalt  }
0x6e: {  	_ =	shalt  }
0x6f: {  	_ =	shalt  }
0x70: {  	_ =	shalt  }
0x71: {  	_ =	shalt  }
0x72: {  	_ =	shalt  }
0x73: {  	_ =	shalt  }
0x74: {  	_ =	shalt  }
0x75: {  	_ =	shalt  }
0x76: {  	_ =	shalt  }
0x77: {  	_ =	shalt  }
0x78: {  	_ =	shalt  }
0x79: {  	_ =	shalt  }
0x7a: {  	_ =	shalt  }
0x7b: {  	_ =	shalt  }
0x7c: {  	_ =	shalt  }
0x7d: {  	_ =	shalt  }
0x7e: {  	_ =	shalt  }
0x7f: {  	_ =	shalt  }
0x80: {  	_ =	shalt  }
0x81: {  	_ =	shalt  }
0x82: {  	_ =	shalt  }
0x83: {  	_ =	shalt  }
0x84: {  	_ =	shalt  }
0x85: {  	_ =	shalt  }
0x86: {  	_ =	shalt  }
0x87: {  	_ =	shalt  }
.Lfunc_end0:
.L_simem_size_0:
called_computation.1_lowered:
.L_overlay_start_0:
0x88: {  	s2 =	sld [smem:$0x3FD9]  }
0x89: {  	s3 =	sld [smem:$0x3FFE];
	_ =	sdelay $0x1  }
0x8a: {  	s1 =	srdreg.scid  }
0x8b: {  	s0 =	sand.u32 $0x1, s1  }
0x8c: {  	s14 =	sshll.u32 s0, $0xA;
	s2 =	sadd.s32 s3, s2  }
0x8d: {  	s2 =	sadd.s32 s2, s14  }
0x8e: {  	[smem:$0x3FB4] =	sst s2  }
0x8f: {  	_ = 	snop  }
0x90: {  	s2 =	sld [smem:$0x3FD0];
	_ =	sdelay $0x2  }
0x91: {  	s15 =	simm.s32 $0xA;
	s4 =	simm.s32 $0x10  }
0x92: {  	[smem:s4], [sflag:s15] =	dma.local [hbm:s2], $0x1  }
0x93: {  	_ =	swait.eq [sflag:s15], $0x1  }
0x94: {  	[sflag:s15] =	ssyncset.done $0x0  }
0x95: {  	s16 =	sld [smem:$0x13];
	[sflag:s15] =	ssyncadd.s32 $0xFFFFFFFF  }
0x96: {  	s17 =	sld [smem:$0x15];
	(tm) =	ssettm $0x1  }
0x97: {  	s18 =	sld [smem:$0x3FFB];
	_ =	sdelay $0x3  }
0x98: {  	_ =	strace s18  }
0x99: {  	s4 =	sld [smem:$0x3FFC];
	_ =	sdelay $0x3  }
0x9a: {  	_ =	strace s4  }
0x9b: {  	s4 =	sld [smem:$0x3FFD];
	_ =	sdelay $0x3  }
0x9c: {  	_ =	strace s4  }
0x9d: {  	_ =	strace $0x8FFFFFFF  }
0x9e: {  	s19 =	sld [smem:$0x3FDB];
	_ =	sdelay $0x1  }
0x9f: {  	s5 =	simm.s32 $_scs_section_size  }
0xa0: {  	s6 =	simm.s32 $_size__tile_overlayer_lowered;
	s7 =	simm.s32 $_tile_overlayer_lowered  }
0xa1: {  	s22 =	simm.s32 $0x1BFF;
	s21 =	sshll.u32 s7, $0x1;
	s4 =	sadd.s32 s5, s19  }
0xa2: {  	s8 =	simm.s32 $0x0;
	s20 =	sshll.u32 s6, $0x1;
	s6 =	sadd.s32 s21, s4  }
0xa3: {  	[timem:s8], [sflag:s22] =	dma.local [hbm:s6], s20  }
0xa4: {  	_ =	swait.ge [sflag:s22], s20  }
0xa5: {  	s5 =	ssub.s32 $0x0, s20;
	[sflag:s22] =	ssyncset.done $0x0  }
0xa6: {  	[sflag:s22] =	ssyncadd.s32 s5;
	_ =	sdelay $0x1  }
0xa7: {  	s23 =	simm.s32 $0x1B8B  }
0xa8: {  	_ =	swait.ge [sflag:s23], $0x1  }
0xa9: {  	[sflag:s23] =	ssyncset.done $0x0  }
0xaa: {  	s25 =	simm.s32 $0x1B8E;
	s24 =	sld [smem:$0x3FFE];
	[sflag:s23] =	ssyncadd.s32 $0xFFFFFFFF  }
0xab: {  	s26 =	simm.s32 $execute0_lowered;
	[smem:$0x3FD2] =	sst s25  }
0xac: {  	s6 =	sshll.u32 s26, $0x1;
	_ =	strace $0x80000049;
	[dreg:$0x1] =	wrdreg $0xFFFFFFFF  }
0xad: {  	s28 =	simm.s32 $_size_execute0_lowered;
	s4 =	sadd.s32 s4, s6;
	[dreg:$0x0] =	wrdreg $0x0  }
0xae: {  	s6 =	sshll.u32 s28, $0x1;
	[dreg:$0x2] =	wrdreg s4  }
0xaf: {  	[dreg:$0x3] =	wrdreg s6  }
0xb0: {  	[dreg:$0x4] =	wrdreg $0xC0  }
0xb1: {  	_ =	task [dreg:s8], $0x5FFFF  }
0xb2: {  	[dreg:$0x1] =	wrdreg $0xFFFFFFFF  }
0xb3: {  	[dreg:$0x0] =	wrdreg $0x60  }
0xb4: {  	[dreg:$0x2] =	wrdreg s16  }
0xb5: {  	[dreg:$0x3] =	wrdreg s17  }
0xb6: {  	[dreg:$0x4] =	wrdreg s24  }
0xb7: {  	[dreg:$0x5] =	wrdreg $0x9  }
0xb8: {  	_ =	task.clear_ibuf [dreg:s8], $0x6FFFF;
	_ =	strace $0x90000049  }
0xb9: {  	s29 =	simm.s32 $0x9;
	_ =	strace $0x8000004B  }
0xba: {  	_ =	swait.ge [sflag:s29], $0x1  }
0xbb: {  	[sflag:s29] =	ssyncadd.s32 $0xFFFFFFFF  }
0xbc: {  	_ =	strace $0x9000004B  }
0xbd: {  	_ =	sfence  }
0xbe: {  	s30 =	sld [smem:$0x0];
	_ =	sdelay $0x2  }
0xbf: {  	s31 =	sshll.u32 s1, $0xD;
	s1 =	sshrl.u32 s1, $0x2  }
0xc0: {  	s3 =	sand.u32 $0x4000, s31;
	s1 =	sadd.s32 s1, s30  }
0xc1: {  	s0 =	sor.u32 s3, s0;
	s1 =	sshll.u32 s1, $0x11  }
0xc2: {  	s0 =	sor.u32 s1, s0  }
0xc3: {  	s0 =	sadd.s32 $0x8F2B, s0  }
0xc4: {  	[sflag:s0] =	ssyncadd.remote.s32 $0x1  }
0xc5: {  	_ =	sfence.sel $0xFFFF  }
0xc6: {  	[dreg:$0x0] =	wrdreg $0xFFFFFFFF;
	(pc) =	sbr.abs _section_cstart, $3  }
0xc7: {  	[dreg:$0x1] =	wrdreg $0xFFFFFFFF  }
0xc8: {  	_ =	task.clear_ibuf [dreg:s8], $0x2FFFF;
	_ =	strace $0x9FFFFFFF  }
0xc9: {  	(tm) =	ssettm $0x7FFFFFFF  }
tec
execute0_lowered:
.L_overlay_start_1:
0x0: {  	(tag) =	ssettag $0x1  }
0x1: {  	s9 =	rddreg [dreg:$0x0];
	s1 =	srdreg.scid  }
0x2: {  	s2 =	rddreg [dreg:$0x1];
	s0 =	stileid.u32;
	s10 =	sand.u32 $0x1, s1  }
0x3: {  	s8 =	rddreg [dreg:$0x2];
	s4 =	sshll.u32 s0, $0x9;
	s5 =	sshll.u32 s10, $0x8  }
0x4: {  	s3 =	simm.s32 $0x0;
	s1 =	rddreg [dreg:$0x3];
	s11 =	sor.u32 s5, s4  }
0x5: {  	[smem:$0x7FF] =	sst s3;
	s4 =	sshrl.u32 s11, $0x3  }
0x6: {  	_ =	strace $0x8000004A;
	s5 =	sadd.s32 s9, s4;
	s4 =	simm.s32 $0x2  }
0x7: {  	[tilespmem:s3], [sflag:$0x2] =	stream.linear.gather [hbm4b:s5+s3], $0x80, $0x38;
	[tilespmem:$0x8080] =	vst v63  }
0x8: {  	_ =	swait.ge [sflag:s4], $0x80  }
0x9: {  	[sflag:s4] =	ssyncset.done $0x0  }
0xa: {  	s6 =	simm.s32 $0x80;
	s7 =	simm.s32 $0x1;
	[sflag:s4] =	ssyncadd.s32 $0xFFFFFF80  }
0xb: {  	[tilespmem:s6], [sflag:$0x1] =	stream.indirect.gather [hbm4b:s2+s6], $0x100, s3, s6, $0xb8;
	[tilespmem:$0x8080] =	vst v63  }
0xc: {  	_ =	swait.ge [sflag:s7], $0x8000  }
0xd: {  	s12 =	sadd.s32 $0x3A00, s8;
	s28 =	sshll.u32 s11, $0x5;
	[sflag:s7] =	ssyncset.done $0x0  }
0xe: {  	s8 =	sadd.s32 s12, s28;
	[sflag:s7] =	ssyncadd.s32 $0xFFFF8000  }
0xf: {  	[hbm4b:s8+s3] =	stream.linear.scatter [tilespmem:s6], [sflag:$0x2], $0x8000, $0x38;
	[tilespmem:$0x8080] =	vst v63  }
0x10: {  	s11 =	sor.u32 $0x80, s11;
	_ =	swait.ge [sflag:s4], $0x8000  }
0x11: {  	s13 =	sshrl.u32 s11, $0x3;
	[sflag:s4] =	ssyncset.done $0x0  }
0x12: {  	s10 =	ssub.s32 $0x2, s10;
	s9 =	sadd.s32 s9, s13;
	[sflag:s4] =	ssyncadd.s32 $0xFFFF8000  }
0x13: {  	[tilespmem:s3], [sflag:$0x2] =	stream.linear.gather [hbm4b:s9+s3], $0x80, $0x38;
	[tilespmem:$0x8080] =	vst v63  }
0x14: {  	s29 =	sshrl.u32 s10, $0x1;
	_ =	swait.ge [sflag:s4], $0x80  }
0x15: {  	s13 =	ssub.s32 s10, s29;
	[sflag:s4] =	ssyncset.done $0x0  }
0x16: {  	s31 =	smax.u32 s13, $0x1;
	[sflag:s4] =	ssyncadd.s32 $0xFFFFFF80  }
0x17: {  	[tilespmem:s6], [sflag:$0x1] =	stream.indirect.gather [hbm4b:s2+s6], $0x100, s3, s6, $0xb8;
	[tilespmem:$0x8080] =	vst v63  }
0x18: {  	p0 =	sne.s32 s31, $0x1;
	_ =	swait.ge [sflag:s7], $0x8000  }
.Ltmp0:
0x19: {  	s30 =	sshll.u32 s11, $0x5;
	[sflag:s7] =	ssyncset.done $0x0;
	(pc) =	sbr.rel @!p0 .LBB2_2-.Ltmp0, $4  }
0x1a: {  	s10 =	sadd.s32 s12, s30;
	[sflag:s7] =	ssyncadd.s32 $0xFFFF8000  }
0x1b: {  	[hbm4b:s10+s3] =	stream.linear.scatter [tilespmem:s6], [sflag:$0x2], $0x8000, $0x38;
	[tilespmem:$0x8080] =	vst v63  }
0x1c: {  	_ =	swait.ge [sflag:s4], $0x8000  }
0x1d: {  	s11 =	sadd.s32 $0xFFFFFFFF, s31;
	[sflag:s4] =	ssyncset.done $0x0  }
.LBB2_1:
0x1e: {  	p0 =	sne.s32 s11, $0x1;
	s11 =	sadd.s32 $0xFFFFFFFF, s11;
	[sflag:s4] =	ssyncadd.s32 $0xFFFF8000  }
0x1f: {  	[tilespmem:s3], [sflag:$0x2] =	stream.linear.gather [hbm4b:s5+s3], $0x80, $0x38;
	[tilespmem:$0x8080] =	vst v63  }
0x20: {  	_ =	swait.ge [sflag:s4], $0x80  }
0x21: {  	[sflag:s4] =	ssyncset.done $0x0  }
0x22: {  	[sflag:s4] =	ssyncadd.s32 $0xFFFFFF80  }
0x23: {  	[tilespmem:s6], [sflag:$0x1] =	stream.indirect.gather [hbm4b:s2+s6], $0x100, s3, s6, $0xb8;
	[tilespmem:$0x8080] =	vst v63  }
0x24: {  	_ =	swait.ge [sflag:s7], $0x8000  }
0x25: {  	[sflag:s7] =	ssyncset.done $0x0  }
0x26: {  	[sflag:s7] =	ssyncadd.s32 $0xFFFF8000  }
0x27: {  	[hbm4b:s8+s3] =	stream.linear.scatter [tilespmem:s6], [sflag:$0x2], $0x8000, $0x38;
	[tilespmem:$0x8080] =	vst v63  }
0x28: {  	_ =	swait.ge [sflag:s4], $0x8000  }
0x29: {  	[sflag:s4] =	ssyncset.done $0x0  }
0x2a: {  	[sflag:s4] =	ssyncadd.s32 $0xFFFF8000  }
0x2b: {  	[tilespmem:s3], [sflag:$0x2] =	stream.linear.gather [hbm4b:s9+s3], $0x80, $0x38;
	[tilespmem:$0x8080] =	vst v63  }
0x2c: {  	_ =	swait.ge [sflag:s4], $0x80  }
0x2d: {  	[sflag:s4] =	ssyncset.done $0x0  }
0x2e: {  	[sflag:s4] =	ssyncadd.s32 $0xFFFFFF80  }
0x2f: {  	[tilespmem:s6], [sflag:$0x1] =	stream.indirect.gather [hbm4b:s2+s6], $0x100, s3, s6, $0xb8;
	[tilespmem:$0x8080] =	vst v63  }
0x30: {  	_ =	swait.ge [sflag:s7], $0x8000  }
.Ltmp1:
0x31: {  	[sflag:s7] =	ssyncset.done $0x0;
	(pc) =	sbr.rel @p0 .LBB2_1-.Ltmp1, $4  }
0x32: {  	[sflag:s7] =	ssyncadd.s32 $0xFFFF8000  }
0x33: {  	[hbm4b:s10+s3] =	stream.linear.scatter [tilespmem:s6], [sflag:$0x2], $0x8000, $0x38;
	[tilespmem:$0x8080] =	vst v63  }
0x34: {  	_ =	swait.ge [sflag:s4], $0x8000  }
0x35: {  	[sflag:s4] =	ssyncset.done $0x0  }
.LBB2_2:
0x36: {  	[sflag:s4] =	ssyncadd.s32 $0xFFFF8000  }
0x37: {  	_ =	sfence.sel $0x180000  }
0x38: {  	[bflag:$0x0] =	sbarrier.arrive $0xFFFF  }
0x39: {  	p0 =	sne.s32 s0, $0x0;
	_ =	strace $0x9000004A  }
0x3a: {  	s0 =	sadd.s32 @!p0 $0x100000, s1;
	[bflag:$0x2] =	sbarrier.arrive $0xFFFF  }
0x3b: {  	[sflag:s0] =	ssyncadd.tile.s32 @!p0 $0x1;
	_ =	shalt  }
.Lfunc_end2:
_tile_overlayer_lowered:
.L_overlay_start_2:
0x3c: {  	(tag) =	ssettag $0x2  }
0x3d: {  	s0 =	rddreg [dreg:$0x0];
	s2 =	stileid.u32  }
0x3e: {  	s1 =	rddreg [dreg:$0x1];
	p0 =	sne.s32 s2, $0x0  }
0x3f: {  	s3 =	rddreg [dreg:$0x2];
	[bflag:$0x3] =	sbarrier.arrive $0xFFFF;
	s2 =	simm.s32 @!p0 $0x1C02  }
0x40: {  	[timem:s3], [sflag:s2] =	dma.local @!p0 [hbm:s0], s1  }
0x41: {  	s0 =	simm.s32 @!p0 $0x2  }
0x42: {  	_ =	swait.ge @!p0 [sflag:s0], s1  }
0x43: {  	s1 =	ssub.s32 @!p0 $0x0, s1;
	[sflag:s0] =	ssyncset.done @!p0 $0x0  }
0x44: {  	[sflag:s0] =	ssyncadd.s32 @!p0 s1  }
0x45: {  	[bflag:$0x3] =	sbarrier.arrive $0xFFFF  }
0x46: {  	_ =	shalt  }

</sc_bundles>
